<compile_context>
chip_gen: v7x
topology: tpu7x:2x2x1
jax: 0.10.2.dev20260603
libtpu: 0.0.44.dev20260713+nightly
codegen_flags: <defaults>
</compile_context>

<pallas_src>
import functools

import jax
import jax.numpy as jnp
from jax import lax
from jax.experimental import pallas as pl
from jax.experimental.pallas import tpu as pltpu
from jax.experimental.pallas import tpu_sc as plsc

_BETA = 0.5



def _argmin_body(x_ref, w2_ref, xsq_ref, wsq_ref, tok_ref, loss_ref,
                 accs_ref, acci_ref, *, bk: int, prec=None):
    i = pl.program_id(0)
    k_total, d = w2_ref.shape
    bm = x_ref.shape[0]
    nk = k_total // bk

    x = x_ref[...]
    x_sq = xsq_ref[...]

    for kb in range(nk):
        w2 = w2_ref[pl.ds(kb * bk, bk), :]
        wsq = wsq_ref[:, pl.ds(kb * bk, bk)]
        dot2 = lax.dot_general(x, w2, (((1,), (1,)), ((), ())),
                               preferred_element_type=jnp.float32,
                               precision=prec)
        s_elem = jnp.sqrt(jnp.maximum((x_sq + wsq) - dot2, 0.0))
        col = lax.broadcasted_iota(jnp.int32, (bm, bk), 1) + (kb * bk)
        if kb == 0:
            accs_ref[...] = s_elem
            acci_ref[...] = col
        else:
            prev = accs_ref[...]
            better = s_elem < prev
            acci_ref[...] = jnp.where(better, col, acci_ref[...])
            accs_ref[...] = jnp.minimum(prev, s_elem)

    acc_s = accs_ref[...]
    s_row = jnp.min(acc_s, axis=1, keepdims=True)
    tok_ref[...] = jnp.min(
        jnp.where(acc_s == s_row, acci_ref[...], k_total), axis=1)

    part = jnp.sum(s_row * s_row)

    @pl.when(i == 0)
    def _first():
        loss_ref[0, 0] = part

    @pl.when(i > 0)
    def _rest():
        loss_ref[0, 0] = loss_ref[0, 0] + part


def _tokens_and_loss(flat_x, w2, x_sq, w_sq, bm=256, bk=1024, prec=None):
    m, d = flat_x.shape
    k = w2.shape[0]
    grid = (m // bm,)
    return pl.pallas_call(
        functools.partial(_argmin_body, bk=bk, prec=prec),
        grid=grid,
        in_specs=[
            pl.BlockSpec((bm, d), lambda i: (i, 0)),
            pl.BlockSpec((k, d), lambda i: (0, 0)),
            pl.BlockSpec((bm, 1), lambda i: (i, 0)),
            pl.BlockSpec((1, k), lambda i: (0, 0)),
        ],
        out_specs=[
            pl.BlockSpec((bm,), lambda i: (i,)),
            pl.BlockSpec(memory_space=pltpu.SMEM),
        ],
        out_shape=[
            jax.ShapeDtypeStruct((m,), jnp.int32),
            jax.ShapeDtypeStruct((1, 1), jnp.float32),
        ],
        scratch_shapes=[pltpu.VMEM((bm, bk), jnp.float32),
                        pltpu.VMEM((bm, bk), jnp.int32)],
    )(flat_x, w2, x_sq, w_sq)



def _make_sc_gather(m, k, d):
    info = plsc.get_sparse_core_info()
    nc, ns = info.num_cores, info.num_subcores
    nw = nc * ns
    b_per_w = m // nw
    assert m % nw == 0 and b_per_w % 8 == 0
    ch = 96
    assert b_per_w % ch == 0
    nch = b_per_w // ch
    mesh = plsc.VectorSubcoreMesh(core_axis_name="c", subcore_axis_name="s")

    @functools.partial(
        pl.kernel,
        mesh=mesh,
        out_type=jax.ShapeDtypeStruct((m, d), jnp.float32),
        scratch_types=[
            pltpu.VMEM((ch,), jnp.int32),
            pltpu.VMEM((ch,), jnp.int32),
            pltpu.VMEM((ch, d), jnp.float32),
            pltpu.VMEM((ch, d), jnp.float32),
            pltpu.SemaphoreType.DMA,
            pltpu.SemaphoreType.DMA,
        ],
    )
    def gather(w_hbm, tok_hbm, out_hbm, idx0, idx1, buf0, buf1, sem0, sem1):
        wid = lax.axis_index("s") * nc + lax.axis_index("c")
        base = wid * b_per_w
        idx = (idx0, idx1)
        buf = (buf0, buf1)
        sem = (sem0, sem1)
        handles = [None, None]

        def start(c, slot):
            pltpu.sync_copy(tok_hbm.at[pl.ds(base + c * ch, ch)], idx[slot])
            handles[slot] = pltpu.async_copy(w_hbm.at[idx[slot]], buf[slot], sem[slot])

        start(0, 0)
        for c in range(nch):
            slot = c % 2
            if c + 1 < nch:
                start(c + 1, 1 - slot)
            handles[slot].wait()
            pltpu.sync_copy(buf[slot], out_hbm.at[pl.ds(base + c * ch, ch)])

    return gather



def kernel(x, w):
    b, n, d = x.shape
    k = w.shape[0]
    m = b * n
    flat_x = x.reshape(m, d)
    x_sq = jnp.sum(flat_x * flat_x, axis=1, keepdims=True)
    w_sq = jnp.sum(w * w, axis=1).reshape(1, k)
    tokens_flat, loss_sum = _tokens_and_loss(flat_x, 2.0 * w, x_sq, w_sq)
    quantized = _make_sc_gather(m, k, d)(w, tokens_flat)
    tokens = tokens_flat.reshape(b, n)
    quantized_st = quantized.reshape(b, n, d)
    vq_loss = (1.0 + _BETA) * loss_sum[0, 0] / jnp.float32(m * d)
    return (tokens, quantized_st, vq_loss)

# --- scband reference (transcript-rebuilt; emitter-appended) ---
"""Pipeline reference for scband-shared-vector-quantizer-26706106646575 (READ-ONLY COPY).

The authoritative reference and input builder live on the scoring server;
editing this copy changes nothing except your own understanding.
"""

import jax, jax.numpy as jnp
import numpy as np

VOCAB_SIZE = 8192
EMBED_DIM = 256
B = 32
N = 576
BETA = 0.5


def setup_inputs(seed: int = 0) -> dict:
    key = jax.random.key(seed)
    k1, k2 = jax.random.split(key)
    x = jax.random.normal(k1, (B, N, EMBED_DIM), dtype=jnp.float32)
    # nn.Embedding weight initialized with normal(mean=0, std=0.02)
    W = jax.random.normal(k2, (VOCAB_SIZE, EMBED_DIM), dtype=jnp.float32) * 0.02
    return {"x": x, "W": W}


def reference(x, W):
    Bb, Nn, Dd = x.shape
    flat_x = x.reshape(-1, Dd)
    # torch.cdist (p=2 Euclidean) between flat_x [B*N, D] and codebook [K, D]
    x_sq = jnp.sum(flat_x * flat_x, axis=1, keepdims=True)
    w_sq = jnp.sum(W * W, axis=1)
    sq_dist = x_sq + w_sq[None, :] - 2.0 * (flat_x @ W.T)
    distances = jnp.sqrt(jnp.maximum(sq_dist, 0.0))
    tokens_flat = jnp.argmin(distances, axis=1)
    tokens = tokens_flat.reshape(Bb, Nn)
    # quantized = self.embedding(tokens)
    quantized = jnp.take(W, tokens, axis=0)
    # losses
    commitment_loss = jnp.mean((jax.lax.stop_gradient(quantized) - x) ** 2)
    embedding_loss = jnp.mean((quantized - jax.lax.stop_gradient(x)) ** 2)
    vq_loss = embedding_loss + BETA * commitment_loss
    # straight-through estimator
    quantized_st = x + jax.lax.stop_gradient(quantized - x)
    return (tokens, quantized_st, vq_loss)

if __name__ == "__main__":
    import jax
    _d = setup_inputs()
    print(jax.jit(kernel)(*tuple(_d.values())))

</pallas_src>

<mosaic_0001>
#map = affine_map<(d0, d1) -> (0, 0)>
#map1 = affine_map<(d0, d1) -> (0)>
module attributes {stable_mosaic.version = 14 : i64} {
  func.func @gather(%arg0: i32, %arg1: i32, %arg2: memref<8192x256xf32, #tpu.memory_space<hbm>>, %arg3: memref<18432xi32, #tpu.memory_space<hbm>>, %arg4: memref<18432x256xf32, #tpu.memory_space<hbm>>, %arg5: memref<96xi32, #tpu.memory_space<vmem>>, %arg6: memref<96xi32, #tpu.memory_space<vmem>>, %arg7: memref<96x256xf32, #tpu.memory_space<vmem>>, %arg8: memref<96x256xf32, #tpu.memory_space<vmem>>, %arg9: memref<!tpu.dma_semaphore, #tpu.memory_space<semaphore_mem>>, %arg10: memref<!tpu.dma_semaphore, #tpu.memory_space<semaphore_mem>>) attributes {dimension_semantics = [#tpu.dimension_semantics<core_parallel>, #tpu.dimension_semantics<subcore_parallel>], iteration_bounds = array<i64: 2, 16>, scalar_prefetch = 0 : i64, scratch_operands = 6 : i64, tpu.core_type = #tpu.core_type<sc_vector_subcore>, window_params = [{transform_indices = #map}, {transform_indices = #map1}, {transform_indices = #map}]} {
    %mul3A = arith.constant 2 : i32
    %mul3A_0 = arith.muli %arg1, %mul3A : i32
    %add3A = arith.addi %mul3A_0, %arg0 : i32
    %mul3A_1 = arith.constant 576 : i32
    %mul3A_2 = arith.muli %add3A, %mul3A_1 : i32
    %add3A_3 = arith.constant 0 : i32
    %add3A_4 = arith.addi %mul3A_2, %add3A_3 : i32
    "tpu.region"() ({
      %run_scoped3A = tpu.sem_alloc : memref<!tpu.dma_semaphore, #tpu.memory_space<semaphore_mem>>
      %dma_start3A_61 = tpu.memref_slice %arg3[%add3A_4] : memref<18432xi32, #tpu.memory_space<hbm>> -> memref<96xi32, #tpu.memory_space<hbm>>
      %dma_start3A_62 = tpu.memref_slice %arg3[%add3A_4] : memref<18432xi32, #tpu.memory_space<hbm>> -> memref<96xi32, #tpu.memory_space<hbm>>
      tpu.enqueue_dma source(%dma_start3A_62 : memref<96xi32, #tpu.memory_space<hbm>>) target(%arg5 : memref<96xi32, #tpu.memory_space<vmem>>) target_semaphore(%run_scoped3A : memref<!tpu.dma_semaphore, #tpu.memory_space<semaphore_mem>>)
      %dma_wait3A_63 = tpu.memref_slice %arg3[%add3A_4] : memref<18432xi32, #tpu.memory_space<hbm>> -> memref<96xi32, #tpu.memory_space<hbm>>
      %dma_wait3A_64 = tpu.memref_slice %arg3[%add3A_4] : memref<18432xi32, #tpu.memory_space<hbm>> -> memref<96xi32, #tpu.memory_space<hbm>>
      tpu.wait_dma2 semaphore(%run_scoped3A : memref<!tpu.dma_semaphore, #tpu.memory_space<semaphore_mem>>) src(%dma_wait3A_64 : memref<96xi32, #tpu.memory_space<hbm>>) dst(%arg5 : memref<96xi32, #tpu.memory_space<vmem>>)
      tpu.yield
    }) : () -> ()
    %dma_start3A = arith.constant 0 : i32
    %dma_start3A_5 = arith.constant 0 : i32
    %dma_start3A_6 = tpu.memref_slice %arg2[%dma_start3A, %dma_start3A_5] : memref<8192x256xf32, #tpu.memory_space<hbm>> -> memref<8192x256xf32, #tpu.memory_space<hbm>>
    tpu.enqueue_indirect_dma source(%dma_start3A_6 : memref<8192x256xf32, #tpu.memory_space<hbm>>) target(%arg7 : memref<96x256xf32, #tpu.memory_space<vmem>>) offsets(%arg5 : memref<96xi32, #tpu.memory_space<vmem>>) semaphore(%arg9 : memref<!tpu.dma_semaphore, #tpu.memory_space<semaphore_mem>>)
    %add3A_7 = arith.constant 96 : i32
    %add3A_8 = arith.addi %mul3A_2, %add3A_7 : i32
    "tpu.region"() ({
      %run_scoped3A = tpu.sem_alloc : memref<!tpu.dma_semaphore, #tpu.memory_space<semaphore_mem>>
      %dma_start3A_61 = tpu.memref_slice %arg3[%add3A_8] : memref<18432xi32, #tpu.memory_space<hbm>> -> memref<96xi32, #tpu.memory_space<hbm>>
      %dma_start3A_62 = tpu.memref_slice %arg3[%add3A_8] : memref<18432xi32, #tpu.memory_space<hbm>> -> memref<96xi32, #tpu.memory_space<hbm>>
      tpu.enqueue_dma source(%dma_start3A_62 : memref<96xi32, #tpu.memory_space<hbm>>) target(%arg6 : memref<96xi32, #tpu.memory_space<vmem>>) target_semaphore(%run_scoped3A : memref<!tpu.dma_semaphore, #tpu.memory_space<semaphore_mem>>)
      %dma_wait3A_63 = tpu.memref_slice %arg3[%add3A_8] : memref<18432xi32, #tpu.memory_space<hbm>> -> memref<96xi32, #tpu.memory_space<hbm>>
      %dma_wait3A_64 = tpu.memref_slice %arg3[%add3A_8] : memref<18432xi32, #tpu.memory_space<hbm>> -> memref<96xi32, #tpu.memory_space<hbm>>
      tpu.wait_dma2 semaphore(%run_scoped3A : memref<!tpu.dma_semaphore, #tpu.memory_space<semaphore_mem>>) src(%dma_wait3A_64 : memref<96xi32, #tpu.memory_space<hbm>>) dst(%arg6 : memref<96xi32, #tpu.memory_space<vmem>>)
      tpu.yield
    }) : () -> ()
    %dma_start3A_9 = arith.constant 0 : i32
    %dma_start3A_10 = arith.constant 0 : i32
    %dma_start3A_11 = tpu.memref_slice %arg2[%dma_start3A_9, %dma_start3A_10] : memref<8192x256xf32, #tpu.memory_space<hbm>> -> memref<8192x256xf32, #tpu.memory_space<hbm>>
    tpu.enqueue_indirect_dma source(%dma_start3A_11 : memref<8192x256xf32, #tpu.memory_space<hbm>>) target(%arg8 : memref<96x256xf32, #tpu.memory_space<vmem>>) offsets(%arg6 : memref<96xi32, #tpu.memory_space<vmem>>) semaphore(%arg10 : memref<!tpu.dma_semaphore, #tpu.memory_space<semaphore_mem>>)
    %dma_wait3A = arith.constant 0 : i32
    %dma_wait3A_12 = arith.constant 0 : i32
    %dma_wait3A_13 = tpu.memref_slice %arg2[%dma_wait3A, %dma_wait3A_12] : memref<8192x256xf32, #tpu.memory_space<hbm>> -> memref<8192x256xf32, #tpu.memory_space<hbm>>
    tpu.wait_indirect_dma semaphore(%arg9 : memref<!tpu.dma_semaphore, #tpu.memory_space<semaphore_mem>>) src(%dma_wait3A_13 : memref<8192x256xf32, #tpu.memory_space<hbm>>) dst(%arg7 : memref<96x256xf32, #tpu.memory_space<vmem>>)
    %add3A_14 = arith.constant 0 : i32
    %add3A_15 = arith.addi %mul3A_2, %add3A_14 : i32
    "tpu.region"() ({
      %run_scoped3A = tpu.sem_alloc : memref<!tpu.dma_semaphore, #tpu.memory_space<semaphore_mem>>
      %dma_start3A_61 = arith.constant 0 : i32
      %dma_start3A_62 = tpu.memref_slice %arg4[%add3A_15, %dma_start3A_61] : memref<18432x256xf32, #tpu.memory_space<hbm>> -> memref<96x256xf32, #tpu.memory_space<hbm>>
      %dma_start3A_63 = arith.constant 0 : i32
      %dma_start3A_64 = tpu.memref_slice %arg4[%add3A_15, %dma_start3A_63] : memref<18432x256xf32, #tpu.memory_space<hbm>> -> memref<96x256xf32, #tpu.memory_space<hbm>>
      tpu.enqueue_dma source(%arg7 : memref<96x256xf32, #tpu.memory_space<vmem>>) target(%dma_start3A_64 : memref<96x256xf32, #tpu.memory_space<hbm>>) target_semaphore(%run_scoped3A : memref<!tpu.dma_semaphore, #tpu.memory_space<semaphore_mem>>)
      %dma_wait3A_65 = arith.constant 0 : i32
      %dma_wait3A_66 = tpu.memref_slice %arg4[%add3A_15, %dma_wait3A_65] : memref<18432x256xf32, #tpu.memory_space<hbm>> -> memref<96x256xf32, #tpu.memory_space<hbm>>
      %dma_wait3A_67 = arith.constant 0 : i32
      %dma_wait3A_68 = tpu.memref_slice %arg4[%add3A_15, %dma_wait3A_67] : memref<18432x256xf32, #tpu.memory_space<hbm>> -> memref<96x256xf32, #tpu.memory_space<hbm>>
      tpu.wait_dma2 semaphore(%run_scoped3A : memref<!tpu.dma_semaphore, #tpu.memory_space<semaphore_mem>>) src(%arg7 : memref<96x256xf32, #tpu.memory_space<vmem>>) dst(%dma_wait3A_68 : memref<96x256xf32, #tpu.memory_space<hbm>>)
      tpu.yield
    }) : () -> ()
    %add3A_16 = arith.constant 192 : i32
    %add3A_17 = arith.addi %mul3A_2, %add3A_16 : i32
    "tpu.region"() ({
      %run_scoped3A = tpu.sem_alloc : memref<!tpu.dma_semaphore, #tpu.memory_space<semaphore_mem>>
      %dma_start3A_61 = tpu.memref_slice %arg3[%add3A_17] : memref<18432xi32, #tpu.memory_space<hbm>> -> memref<96xi32, #tpu.memory_space<hbm>>
      %dma_start3A_62 = tpu.memref_slice %arg3[%add3A_17] : memref<18432xi32, #tpu.memory_space<hbm>> -> memref<96xi32, #tpu.memory_space<hbm>>
      tpu.enqueue_dma source(%dma_start3A_62 : memref<96xi32, #tpu.memory_space<hbm>>) target(%arg5 : memref<96xi32, #tpu.memory_space<vmem>>) target_semaphore(%run_scoped3A : memref<!tpu.dma_semaphore, #tpu.memory_space<semaphore_mem>>)
      %dma_wait3A_63 = tpu.memref_slice %arg3[%add3A_17] : memref<18432xi32, #tpu.memory_space<hbm>> -> memref<96xi32, #tpu.memory_space<hbm>>
      %dma_wait3A_64 = tpu.memref_slice %arg3[%add3A_17] : memref<18432xi32, #tpu.memory_space<hbm>> -> memref<96xi32, #tpu.memory_space<hbm>>
      tpu.wait_dma2 semaphore(%run_scoped3A : memref<!tpu.dma_semaphore, #tpu.memory_space<semaphore_mem>>) src(%dma_wait3A_64 : memref<96xi32, #tpu.memory_space<hbm>>) dst(%arg5 : memref<96xi32, #tpu.memory_space<vmem>>)
      tpu.yield
    }) : () -> ()
    %dma_start3A_18 = arith.constant 0 : i32
    %dma_start3A_19 = arith.constant 0 : i32
    %dma_start3A_20 = tpu.memref_slice %arg2[%dma_start3A_18, %dma_start3A_19] : memref<8192x256xf32, #tpu.memory_space<hbm>> -> memref<8192x256xf32, #tpu.memory_space<hbm>>
    tpu.enqueue_indirect_dma source(%dma_start3A_20 : memref<8192x256xf32, #tpu.memory_space<hbm>>) target(%arg7 : memref<96x256xf32, #tpu.memory_space<vmem>>) offsets(%arg5 : memref<96xi32, #tpu.memory_space<vmem>>) semaphore(%arg9 : memref<!tpu.dma_semaphore, #tpu.memory_space<semaphore_mem>>)
    %dma_wait3A_21 = arith.constant 0 : i32
    %dma_wait3A_22 = arith.constant 0 : i32
    %dma_wait3A_23 = tpu.memref_slice %arg2[%dma_wait3A_21, %dma_wait3A_22] : memref<8192x256xf32, #tpu.memory_space<hbm>> -> memref<8192x256xf32, #tpu.memory_space<hbm>>
    tpu.wait_indirect_dma semaphore(%arg10 : memref<!tpu.dma_semaphore, #tpu.memory_space<semaphore_mem>>) src(%dma_wait3A_23 : memref<8192x256xf32, #tpu.memory_space<hbm>>) dst(%arg8 : memref<96x256xf32, #tpu.memory_space<vmem>>)
    %add3A_24 = arith.constant 96 : i32
    %add3A_25 = arith.addi %mul3A_2, %add3A_24 : i32
    "tpu.region"() ({
      %run_scoped3A = tpu.sem_alloc : memref<!tpu.dma_semaphore, #tpu.memory_space<semaphore_mem>>
      %dma_start3A_61 = arith.constant 0 : i32
      %dma_start3A_62 = tpu.memref_slice %arg4[%add3A_25, %dma_start3A_61] : memref<18432x256xf32, #tpu.memory_space<hbm>> -> memref<96x256xf32, #tpu.memory_space<hbm>>
      %dma_start3A_63 = arith.constant 0 : i32
      %dma_start3A_64 = tpu.memref_slice %arg4[%add3A_25, %dma_start3A_63] : memref<18432x256xf32, #tpu.memory_space<hbm>> -> memref<96x256xf32, #tpu.memory_space<hbm>>
      tpu.enqueue_dma source(%arg8 : memref<96x256xf32, #tpu.memory_space<vmem>>) target(%dma_start3A_64 : memref<96x256xf32, #tpu.memory_space<hbm>>) target_semaphore(%run_scoped3A : memref<!tpu.dma_semaphore, #tpu.memory_space<semaphore_mem>>)
      %dma_wait3A_65 = arith.constant 0 : i32
      %dma_wait3A_66 = tpu.memref_slice %arg4[%add3A_25, %dma_wait3A_65] : memref<18432x256xf32, #tpu.memory_space<hbm>> -> memref<96x256xf32, #tpu.memory_space<hbm>>
      %dma_wait3A_67 = arith.constant 0 : i32
      %dma_wait3A_68 = tpu.memref_slice %arg4[%add3A_25, %dma_wait3A_67] : memref<18432x256xf32, #tpu.memory_space<hbm>> -> memref<96x256xf32, #tpu.memory_space<hbm>>
      tpu.wait_dma2 semaphore(%run_scoped3A : memref<!tpu.dma_semaphore, #tpu.memory_space<semaphore_mem>>) src(%arg8 : memref<96x256xf32, #tpu.memory_space<vmem>>) dst(%dma_wait3A_68 : memref<96x256xf32, #tpu.memory_space<hbm>>)
      tpu.yield
    }) : () -> ()
    %add3A_26 = arith.constant 288 : i32
    %add3A_27 = arith.addi %mul3A_2, %add3A_26 : i32
    "tpu.region"() ({
      %run_scoped3A = tpu.sem_alloc : memref<!tpu.dma_semaphore, #tpu.memory_space<semaphore_mem>>
      %dma_start3A_61 = tpu.memref_slice %arg3[%add3A_27] : memref<18432xi32, #tpu.memory_space<hbm>> -> memref<96xi32, #tpu.memory_space<hbm>>
      %dma_start3A_62 = tpu.memref_slice %arg3[%add3A_27] : memref<18432xi32, #tpu.memory_space<hbm>> -> memref<96xi32, #tpu.memory_space<hbm>>
      tpu.enqueue_dma source(%dma_start3A_62 : memref<96xi32, #tpu.memory_space<hbm>>) target(%arg6 : memref<96xi32, #tpu.memory_space<vmem>>) target_semaphore(%run_scoped3A : memref<!tpu.dma_semaphore, #tpu.memory_space<semaphore_mem>>)
      %dma_wait3A_63 = tpu.memref_slice %arg3[%add3A_27] : memref<18432xi32, #tpu.memory_space<hbm>> -> memref<96xi32, #tpu.memory_space<hbm>>
      %dma_wait3A_64 = tpu.memref_slice %arg3[%add3A_27] : memref<18432xi32, #tpu.memory_space<hbm>> -> memref<96xi32, #tpu.memory_space<hbm>>
      tpu.wait_dma2 semaphore(%run_scoped3A : memref<!tpu.dma_semaphore, #tpu.memory_space<semaphore_mem>>) src(%dma_wait3A_64 : memref<96xi32, #tpu.memory_space<hbm>>) dst(%arg6 : memref<96xi32, #tpu.memory_space<vmem>>)
      tpu.yield
    }) : () -> ()
    %dma_start3A_28 = arith.constant 0 : i32
    %dma_start3A_29 = arith.constant 0 : i32
    %dma_start3A_30 = tpu.memref_slice %arg2[%dma_start3A_28, %dma_start3A_29] : memref<8192x256xf32, #tpu.memory_space<hbm>> -> memref<8192x256xf32, #tpu.memory_space<hbm>>
    tpu.enqueue_indirect_dma source(%dma_start3A_30 : memref<8192x256xf32, #tpu.memory_space<hbm>>) target(%arg8 : memref<96x256xf32, #tpu.memory_space<vmem>>) offsets(%arg6 : memref<96xi32, #tpu.memory_space<vmem>>) semaphore(%arg10 : memref<!tpu.dma_semaphore, #tpu.memory_space<semaphore_mem>>)
    %dma_wait3A_31 = arith.constant 0 : i32
    %dma_wait3A_32 = arith.constant 0 : i32
    %dma_wait3A_33 = tpu.memref_slice %arg2[%dma_wait3A_31, %dma_wait3A_32] : memref<8192x256xf32, #tpu.memory_space<hbm>> -> memref<8192x256xf32, #tpu.memory_space<hbm>>
    tpu.wait_indirect_dma semaphore(%arg9 : memref<!tpu.dma_semaphore, #tpu.memory_space<semaphore_mem>>) src(%dma_wait3A_33 : memref<8192x256xf32, #tpu.memory_space<hbm>>) dst(%arg7 : memref<96x256xf32, #tpu.memory_space<vmem>>)
    %add3A_34 = arith.constant 192 : i32
    %add3A_35 = arith.addi %mul3A_2, %add3A_34 : i32
    "tpu.region"() ({
      %run_scoped3A = tpu.sem_alloc : memref<!tpu.dma_semaphore, #tpu.memory_space<semaphore_mem>>
      %dma_start3A_61 = arith.constant 0 : i32
      %dma_start3A_62 = tpu.memref_slice %arg4[%add3A_35, %dma_start3A_61] : memref<18432x256xf32, #tpu.memory_space<hbm>> -> memref<96x256xf32, #tpu.memory_space<hbm>>
      %dma_start3A_63 = arith.constant 0 : i32
      %dma_start3A_64 = tpu.memref_slice %arg4[%add3A_35, %dma_start3A_63] : memref<18432x256xf32, #tpu.memory_space<hbm>> -> memref<96x256xf32, #tpu.memory_space<hbm>>
      tpu.enqueue_dma source(%arg7 : memref<96x256xf32, #tpu.memory_space<vmem>>) target(%dma_start3A_64 : memref<96x256xf32, #tpu.memory_space<hbm>>) target_semaphore(%run_scoped3A : memref<!tpu.dma_semaphore, #tpu.memory_space<semaphore_mem>>)
      %dma_wait3A_65 = arith.constant 0 : i32
      %dma_wait3A_66 = tpu.memref_slice %arg4[%add3A_35, %dma_wait3A_65] : memref<18432x256xf32, #tpu.memory_space<hbm>> -> memref<96x256xf32, #tpu.memory_space<hbm>>
      %dma_wait3A_67 = arith.constant 0 : i32
      %dma_wait3A_68 = tpu.memref_slice %arg4[%add3A_35, %dma_wait3A_67] : memref<18432x256xf32, #tpu.memory_space<hbm>> -> memref<96x256xf32, #tpu.memory_space<hbm>>
      tpu.wait_dma2 semaphore(%run_scoped3A : memref<!tpu.dma_semaphore, #tpu.memory_space<semaphore_mem>>) src(%arg7 : memref<96x256xf32, #tpu.memory_space<vmem>>) dst(%dma_wait3A_68 : memref<96x256xf32, #tpu.memory_space<hbm>>)
      tpu.yield
    }) : () -> ()
    %add3A_36 = arith.constant 384 : i32
    %add3A_37 = arith.addi %mul3A_2, %add3A_36 : i32
    "tpu.region"() ({
      %run_scoped3A = tpu.sem_alloc : memref<!tpu.dma_semaphore, #tpu.memory_space<semaphore_mem>>
      %dma_start3A_61 = tpu.memref_slice %arg3[%add3A_37] : memref<18432xi32, #tpu.memory_space<hbm>> -> memref<96xi32, #tpu.memory_space<hbm>>
      %dma_start3A_62 = tpu.memref_slice %arg3[%add3A_37] : memref<18432xi32, #tpu.memory_space<hbm>> -> memref<96xi32, #tpu.memory_space<hbm>>
      tpu.enqueue_dma source(%dma_start3A_62 : memref<96xi32, #tpu.memory_space<hbm>>) target(%arg5 : memref<96xi32, #tpu.memory_space<vmem>>) target_semaphore(%run_scoped3A : memref<!tpu.dma_semaphore, #tpu.memory_space<semaphore_mem>>)
      %dma_wait3A_63 = tpu.memref_slice %arg3[%add3A_37] : memref<18432xi32, #tpu.memory_space<hbm>> -> memref<96xi32, #tpu.memory_space<hbm>>
      %dma_wait3A_64 = tpu.memref_slice %arg3[%add3A_37] : memref<18432xi32, #tpu.memory_space<hbm>> -> memref<96xi32, #tpu.memory_space<hbm>>
      tpu.wait_dma2 semaphore(%run_scoped3A : memref<!tpu.dma_semaphore, #tpu.memory_space<semaphore_mem>>) src(%dma_wait3A_64 : memref<96xi32, #tpu.memory_space<hbm>>) dst(%arg5 : memref<96xi32, #tpu.memory_space<vmem>>)
      tpu.yield
    }) : () -> ()
    %dma_start3A_38 = arith.constant 0 : i32
    %dma_start3A_39 = arith.constant 0 : i32
    %dma_start3A_40 = tpu.memref_slice %arg2[%dma_start3A_38, %dma_start3A_39] : memref<8192x256xf32, #tpu.memory_space<hbm>> -> memref<8192x256xf32, #tpu.memory_space<hbm>>
    tpu.enqueue_indirect_dma source(%dma_start3A_40 : memref<8192x256xf32, #tpu.memory_space<hbm>>) target(%arg7 : memref<96x256xf32, #tpu.memory_space<vmem>>) offsets(%arg5 : memref<96xi32, #tpu.memory_space<vmem>>) semaphore(%arg9 : memref<!tpu.dma_semaphore, #tpu.memory_space<semaphore_mem>>)
    %dma_wait3A_41 = arith.constant 0 : i32
    %dma_wait3A_42 = arith.constant 0 : i32
    %dma_wait3A_43 = tpu.memref_slice %arg2[%dma_wait3A_41, %dma_wait3A_42] : memref<8192x256xf32, #tpu.memory_space<hbm>> -> memref<8192x256xf32, #tpu.memory_space<hbm>>
    tpu.wait_indirect_dma semaphore(%arg10 : memref<!tpu.dma_semaphore, #tpu.memory_space<semaphore_mem>>) src(%dma_wait3A_43 : memref<8192x256xf32, #tpu.memory_space<hbm>>) dst(%arg8 : memref<96x256xf32, #tpu.memory_space<vmem>>)
    %add3A_44 = arith.constant 288 : i32
    %add3A_45 = arith.addi %mul3A_2, %add3A_44 : i32
    "tpu.region"() ({
      %run_scoped3A = tpu.sem_alloc : memref<!tpu.dma_semaphore, #tpu.memory_space<semaphore_mem>>
      %dma_start3A_61 = arith.constant 0 : i32
      %dma_start3A_62 = tpu.memref_slice %arg4[%add3A_45, %dma_start3A_61] : memref<18432x256xf32, #tpu.memory_space<hbm>> -> memref<96x256xf32, #tpu.memory_space<hbm>>
      %dma_start3A_63 = arith.constant 0 : i32
      %dma_start3A_64 = tpu.memref_slice %arg4[%add3A_45, %dma_start3A_63] : memref<18432x256xf32, #tpu.memory_space<hbm>> -> memref<96x256xf32, #tpu.memory_space<hbm>>
      tpu.enqueue_dma source(%arg8 : memref<96x256xf32, #tpu.memory_space<vmem>>) target(%dma_start3A_64 : memref<96x256xf32, #tpu.memory_space<hbm>>) target_semaphore(%run_scoped3A : memref<!tpu.dma_semaphore, #tpu.memory_space<semaphore_mem>>)
      %dma_wait3A_65 = arith.constant 0 : i32
      %dma_wait3A_66 = tpu.memref_slice %arg4[%add3A_45, %dma_wait3A_65] : memref<18432x256xf32, #tpu.memory_space<hbm>> -> memref<96x256xf32, #tpu.memory_space<hbm>>
      %dma_wait3A_67 = arith.constant 0 : i32
      %dma_wait3A_68 = tpu.memref_slice %arg4[%add3A_45, %dma_wait3A_67] : memref<18432x256xf32, #tpu.memory_space<hbm>> -> memref<96x256xf32, #tpu.memory_space<hbm>>
      tpu.wait_dma2 semaphore(%run_scoped3A : memref<!tpu.dma_semaphore, #tpu.memory_space<semaphore_mem>>) src(%arg8 : memref<96x256xf32, #tpu.memory_space<vmem>>) dst(%dma_wait3A_68 : memref<96x256xf32, #tpu.memory_space<hbm>>)
      tpu.yield
    }) : () -> ()
    %add3A_46 = arith.constant 480 : i32
    %add3A_47 = arith.addi %mul3A_2, %add3A_46 : i32
    "tpu.region"() ({
      %run_scoped3A = tpu.sem_alloc : memref<!tpu.dma_semaphore, #tpu.memory_space<semaphore_mem>>
      %dma_start3A_61 = tpu.memref_slice %arg3[%add3A_47] : memref<18432xi32, #tpu.memory_space<hbm>> -> memref<96xi32, #tpu.memory_space<hbm>>
      %dma_start3A_62 = tpu.memref_slice %arg3[%add3A_47] : memref<18432xi32, #tpu.memory_space<hbm>> -> memref<96xi32, #tpu.memory_space<hbm>>
      tpu.enqueue_dma source(%dma_start3A_62 : memref<96xi32, #tpu.memory_space<hbm>>) target(%arg6 : memref<96xi32, #tpu.memory_space<vmem>>) target_semaphore(%run_scoped3A : memref<!tpu.dma_semaphore, #tpu.memory_space<semaphore_mem>>)
      %dma_wait3A_63 = tpu.memref_slice %arg3[%add3A_47] : memref<18432xi32, #tpu.memory_space<hbm>> -> memref<96xi32, #tpu.memory_space<hbm>>
      %dma_wait3A_64 = tpu.memref_slice %arg3[%add3A_47] : memref<18432xi32, #tpu.memory_space<hbm>> -> memref<96xi32, #tpu.memory_space<hbm>>
      tpu.wait_dma2 semaphore(%run_scoped3A : memref<!tpu.dma_semaphore, #tpu.memory_space<semaphore_mem>>) src(%dma_wait3A_64 : memref<96xi32, #tpu.memory_space<hbm>>) dst(%arg6 : memref<96xi32, #tpu.memory_space<vmem>>)
      tpu.yield
    }) : () -> ()
    %dma_start3A_48 = arith.constant 0 : i32
    %dma_start3A_49 = arith.constant 0 : i32
    %dma_start3A_50 = tpu.memref_slice %arg2[%dma_start3A_48, %dma_start3A_49] : memref<8192x256xf32, #tpu.memory_space<hbm>> -> memref<8192x256xf32, #tpu.memory_space<hbm>>
    tpu.enqueue_indirect_dma source(%dma_start3A_50 : memref<8192x256xf32, #tpu.memory_space<hbm>>) target(%arg8 : memref<96x256xf32, #tpu.memory_space<vmem>>) offsets(%arg6 : memref<96xi32, #tpu.memory_space<vmem>>) semaphore(%arg10 : memref<!tpu.dma_semaphore, #tpu.memory_space<semaphore_mem>>)
    %dma_wait3A_51 = arith.constant 0 : i32
    %dma_wait3A_52 = arith.constant 0 : i32
    %dma_wait3A_53 = tpu.memref_slice %arg2[%dma_wait3A_51, %dma_wait3A_52] : memref<8192x256xf32, #tpu.memory_space<hbm>> -> memref<8192x256xf32, #tpu.memory_space<hbm>>
    tpu.wait_indirect_dma semaphore(%arg9 : memref<!tpu.dma_semaphore, #tpu.memory_space<semaphore_mem>>) src(%dma_wait3A_53 : memref<8192x256xf32, #tpu.memory_space<hbm>>) dst(%arg7 : memref<96x256xf32, #tpu.memory_space<vmem>>)
    %add3A_54 = arith.constant 384 : i32
    %add3A_55 = arith.addi %mul3A_2, %add3A_54 : i32
    "tpu.region"() ({
      %run_scoped3A = tpu.sem_alloc : memref<!tpu.dma_semaphore, #tpu.memory_space<semaphore_mem>>
      %dma_start3A_61 = arith.constant 0 : i32
      %dma_start3A_62 = tpu.memref_slice %arg4[%add3A_55, %dma_start3A_61] : memref<18432x256xf32, #tpu.memory_space<hbm>> -> memref<96x256xf32, #tpu.memory_space<hbm>>
      %dma_start3A_63 = arith.constant 0 : i32
      %dma_start3A_64 = tpu.memref_slice %arg4[%add3A_55, %dma_start3A_63] : memref<18432x256xf32, #tpu.memory_space<hbm>> -> memref<96x256xf32, #tpu.memory_space<hbm>>
      tpu.enqueue_dma source(%arg7 : memref<96x256xf32, #tpu.memory_space<vmem>>) target(%dma_start3A_64 : memref<96x256xf32, #tpu.memory_space<hbm>>) target_semaphore(%run_scoped3A : memref<!tpu.dma_semaphore, #tpu.memory_space<semaphore_mem>>)
      %dma_wait3A_65 = arith.constant 0 : i32
      %dma_wait3A_66 = tpu.memref_slice %arg4[%add3A_55, %dma_wait3A_65] : memref<18432x256xf32, #tpu.memory_space<hbm>> -> memref<96x256xf32, #tpu.memory_space<hbm>>
      %dma_wait3A_67 = arith.constant 0 : i32
      %dma_wait3A_68 = tpu.memref_slice %arg4[%add3A_55, %dma_wait3A_67] : memref<18432x256xf32, #tpu.memory_space<hbm>> -> memref<96x256xf32, #tpu.memory_space<hbm>>
      tpu.wait_dma2 semaphore(%run_scoped3A : memref<!tpu.dma_semaphore, #tpu.memory_space<semaphore_mem>>) src(%arg7 : memref<96x256xf32, #tpu.memory_space<vmem>>) dst(%dma_wait3A_68 : memref<96x256xf32, #tpu.memory_space<hbm>>)
      tpu.yield
    }) : () -> ()
    %dma_wait3A_56 = arith.constant 0 : i32
    %dma_wait3A_57 = arith.constant 0 : i32
    %dma_wait3A_58 = tpu.memref_slice %arg2[%dma_wait3A_56, %dma_wait3A_57] : memref<8192x256xf32, #tpu.memory_space<hbm>> -> memref<8192x256xf32, #tpu.memory_space<hbm>>
    tpu.wait_indirect_dma semaphore(%arg10 : memref<!tpu.dma_semaphore, #tpu.memory_space<semaphore_mem>>) src(%dma_wait3A_58 : memref<8192x256xf32, #tpu.memory_space<hbm>>) dst(%arg8 : memref<96x256xf32, #tpu.memory_space<vmem>>)
    %add3A_59 = arith.constant 480 : i32
    %add3A_60 = arith.addi %mul3A_2, %add3A_59 : i32
    "tpu.region"() ({
      %run_scoped3A = tpu.sem_alloc : memref<!tpu.dma_semaphore, #tpu.memory_space<semaphore_mem>>
      %dma_start3A_61 = arith.constant 0 : i32
      %dma_start3A_62 = tpu.memref_slice %arg4[%add3A_60, %dma_start3A_61] : memref<18432x256xf32, #tpu.memory_space<hbm>> -> memref<96x256xf32, #tpu.memory_space<hbm>>
      %dma_start3A_63 = arith.constant 0 : i32
      %dma_start3A_64 = tpu.memref_slice %arg4[%add3A_60, %dma_start3A_63] : memref<18432x256xf32, #tpu.memory_space<hbm>> -> memref<96x256xf32, #tpu.memory_space<hbm>>
      tpu.enqueue_dma source(%arg8 : memref<96x256xf32, #tpu.memory_space<vmem>>) target(%dma_start3A_64 : memref<96x256xf32, #tpu.memory_space<hbm>>) target_semaphore(%run_scoped3A : memref<!tpu.dma_semaphore, #tpu.memory_space<semaphore_mem>>)
      %dma_wait3A_65 = arith.constant 0 : i32
      %dma_wait3A_66 = tpu.memref_slice %arg4[%add3A_60, %dma_wait3A_65] : memref<18432x256xf32, #tpu.memory_space<hbm>> -> memref<96x256xf32, #tpu.memory_space<hbm>>
      %dma_wait3A_67 = arith.constant 0 : i32
      %dma_wait3A_68 = tpu.memref_slice %arg4[%add3A_60, %dma_wait3A_67] : memref<18432x256xf32, #tpu.memory_space<hbm>> -> memref<96x256xf32, #tpu.memory_space<hbm>>
      tpu.wait_dma2 semaphore(%run_scoped3A : memref<!tpu.dma_semaphore, #tpu.memory_space<semaphore_mem>>) src(%arg8 : memref<96x256xf32, #tpu.memory_space<vmem>>) dst(%dma_wait3A_68 : memref<96x256xf32, #tpu.memory_space<hbm>>)
      tpu.yield
    }) : () -> ()
    return
  }
}

module attributes {stable_mosaic.version = 14 : i64} {
  func.func @_argmin_body(%arg0: i32, %arg1: memref<256x256xf32, #tpu.memory_space<vmem>>, %arg2: memref<8192x256xf32, #tpu.memory_space<vmem>>, %arg3: memref<256x1xf32, #tpu.memory_space<vmem>>, %arg4: memref<1x8192xf32, #tpu.memory_space<vmem>>, %arg5: memref<256xi32, #tpu.memory_space<vmem>>, %arg6: memref<1x1xf32, #tpu.memory_space<smem>>, %arg7: memref<256x1024xf32, #tpu.memory_space<vmem>>, %arg8: memref<256x1024xi32, #tpu.memory_space<vmem>>) attributes {dimension_semantics = [#tpu.dimension_semantics<arbitrary>], iteration_bounds = array<i64: 72>, scalar_prefetch = 0 : i64, scratch_operands = 2 : i64, tpu.core_type = #tpu.core_type<tc>, window_params = [{transform_indices = @transform_0, window_bounds = array<i64: 256, 256>}, {pipeline_mode = #tpu.pipeline_mode<synchronous>, transform_indices = @transform_1, window_bounds = array<i64: 8192, 256>}, {transform_indices = @transform_2, window_bounds = array<i64: 256, 1>}, {pipeline_mode = #tpu.pipeline_mode<synchronous>, transform_indices = @transform_3, window_bounds = array<i64: 1, 8192>}, {transform_indices = @transform_4, window_bounds = array<i64: 256>}, {transform_indices = @transform_5, window_bounds = array<i64: 1, 1>}]} {
    %get3A = arith.constant 0 : index
    %get3A_0 = arith.constant 0 : index
    %get3A_1 = vector.load %arg1[%get3A, %get3A_0] : memref<256x256xf32, #tpu.memory_space<vmem>>, vector<256x256xf32>
    %get3A_2 = arith.constant 0 : index
    %get3A_3 = arith.constant 0 : index
    %get3A_4 = vector.load %arg3[%get3A_2, %get3A_3] : memref<256x1xf32, #tpu.memory_space<vmem>>, vector<256x1xf32>
    %get3A_5 = arith.constant 0 : index
    %get3A_6 = arith.constant 0 : index
    %get3A_7 = vector.load %arg2[%get3A_5, %get3A_6] : memref<8192x256xf32, #tpu.memory_space<vmem>>, vector<1024x256xf32>
    %get3A_8 = arith.constant 0 : index
    %get3A_9 = arith.constant 0 : index
    %get3A_10 = vector.load %arg4[%get3A_8, %get3A_9] : memref<1x8192xf32, #tpu.memory_space<vmem>>, vector<1x1024xf32>
    %dot_general3A = arith.constant dense<0.000000e+00> : vector<256x1024xf32>
    %dot_general3A_11 = tpu.matmul %get3A_1, %get3A_7, %dot_general3A {dimension_numbers = #tpu.dot_dimension_numbers<[1], [1], [0], [0], [0, 0, 1, 0], [], []>, transpose_lhs_hint = false} : vector<256x256xf32>, vector<1024x256xf32>, vector<256x1024xf32> -> vector<256x1024xf32>
    %add3A = vector.broadcast %get3A_4 : vector<256x1xf32> to vector<256x1024xf32>
    %add3A_12 = vector.broadcast %get3A_10 : vector<1x1024xf32> to vector<256x1024xf32>
    %add3A_13 = arith.addf %add3A, %add3A_12 : vector<256x1024xf32>
    %sub3A = arith.subf %add3A_13, %dot_general3A_11 : vector<256x1024xf32>
    %max3A = arith.constant 0.000000e+00 : f32
    %max3A_14 = vector.broadcast %max3A : f32 to vector<256x1024xf32>
    %max3A_15 = arith.maximumf %sub3A, %max3A_14 : vector<256x1024xf32>
    %sqrt3A = math.sqrt %max3A_15 : vector<256x1024xf32>
    %iota3A = tpu.iota {dimensions = array<i32: 1>} : vector<256x1024xi32>
    %add3A_16 = arith.constant 0 : i32
    %add3A_17 = vector.broadcast %add3A_16 : i32 to vector<256x1024xi32>
    %add3A_18 = arith.addi %iota3A, %add3A_17 : vector<256x1024xi32>
    %swap3A = arith.constant 0 : index
    %swap3A_19 = arith.constant 0 : index
    %swap3A_20 = vector.load %arg7[%swap3A, %swap3A_19] : memref<256x1024xf32, #tpu.memory_space<vmem>>, vector<256x1024xf32>
    tpu.vector_store %arg7[%swap3A, %swap3A_19], %sqrt3A {strides = array<i32>} : memref<256x1024xf32, #tpu.memory_space<vmem>>, vector<256x1024xf32>,
    %swap3A_21 = arith.constant 0 : index
    %swap3A_22 = arith.constant 0 : index
    %swap3A_23 = vector.load %arg8[%swap3A_21, %swap3A_22] : memref<256x1024xi32, #tpu.memory_space<vmem>>, vector<256x1024xi32>
    tpu.vector_store %arg8[%swap3A_21, %swap3A_22], %add3A_18 {strides = array<i32>} : memref<256x1024xi32, #tpu.memory_space<vmem>>, vector<256x1024xi32>,
    %get3A_24 = arith.constant 1024 : index
    %get3A_25 = arith.constant 0 : index
    %get3A_26 = vector.load %arg2[%get3A_24, %get3A_25] : memref<8192x256xf32, #tpu.memory_space<vmem>>, vector<1024x256xf32>
    %get3A_27 = arith.constant 0 : index
    %get3A_28 = arith.constant 1024 : index
    %get3A_29 = vector.load %arg4[%get3A_27, %get3A_28] : memref<1x8192xf32, #tpu.memory_space<vmem>>, vector<1x1024xf32>
    %dot_general3A_30 = arith.constant dense<0.000000e+00> : vector<256x1024xf32>
    %dot_general3A_31 = tpu.matmul %get3A_1, %get3A_26, %dot_general3A_30 {dimension_numbers = #tpu.dot_dimension_numbers<[1], [1], [0], [0], [0, 0, 1, 0], [], []>, transpose_lhs_hint = false} : vector<256x256xf32>, vector<1024x256xf32>, vector<256x1024xf32> -> vector<256x1024xf32>
    %add3A_32 = vector.broadcast %get3A_4 : vector<256x1xf32> to vector<256x1024xf32>
    %add3A_33 = vector.broadcast %get3A_29 : vector<1x1024xf32> to vector<256x1024xf32>
    %add3A_34 = arith.addf %add3A_32, %add3A_33 : vector<256x1024xf32>
    %sub3A_35 = arith.subf %add3A_34, %dot_general3A_31 : vector<256x1024xf32>
    %max3A_36 = arith.constant 0.000000e+00 : f32
    %max3A_37 = vector.broadcast %max3A_36 : f32 to vector<256x1024xf32>
    %max3A_38 = arith.maximumf %sub3A_35, %max3A_37 : vector<256x1024xf32>
    %sqrt3A_39 = math.sqrt %max3A_38 : vector<256x1024xf32>
    %iota3A_40 = tpu.iota {dimensions = array<i32: 1>} : vector<256x1024xi32>
    %add3A_41 = arith.constant 1024 : i32
    %add3A_42 = vector.broadcast %add3A_41 : i32 to vector<256x1024xi32>
    %add3A_43 = arith.addi %iota3A_40, %add3A_42 : vector<256x1024xi32>
    %get3A_44 = arith.constant 0 : index
    %get3A_45 = arith.constant 0 : index
    %get3A_46 = vector.load %arg7[%get3A_44, %get3A_45] : memref<256x1024xf32, #tpu.memory_space<vmem>>, vector<256x1024xf32>
    %lt3A = arith.cmpf olt, %sqrt3A_39, %get3A_46 : vector<256x1024xf32>
    %get3A_47 = arith.constant 0 : index
    %get3A_48 = arith.constant 0 : index
    %get3A_49 = vector.load %arg8[%get3A_47, %get3A_48] : memref<256x1024xi32, #tpu.memory_space<vmem>>, vector<256x1024xi32>
    %select_n3A = arith.select %lt3A, %add3A_43, %get3A_49 : vector<256x1024xi1>, vector<256x1024xi32>
    %swap3A_50 = arith.constant 0 : index
    %swap3A_51 = arith.constant 0 : index
    %swap3A_52 = vector.load %arg8[%swap3A_50, %swap3A_51] : memref<256x1024xi32, #tpu.memory_space<vmem>>, vector<256x1024xi32>
    tpu.vector_store %arg8[%swap3A_50, %swap3A_51], %select_n3A {strides = array<i32>} : memref<256x1024xi32, #tpu.memory_space<vmem>>, vector<256x1024xi32>,
    %min3A = arith.minimumf %get3A_46, %sqrt3A_39 : vector<256x1024xf32>
    %swap3A_53 = arith.constant 0 : index
    %swap3A_54 = arith.constant 0 : index
    %swap3A_55 = vector.load %arg7[%swap3A_53, %swap3A_54] : memref<256x1024xf32, #tpu.memory_space<vmem>>, vector<256x1024xf32>
    tpu.vector_store %arg7[%swap3A_53, %swap3A_54], %min3A {strides = array<i32>} : memref<256x1024xf32, #tpu.memory_space<vmem>>, vector<256x1024xf32>,
    %get3A_56 = arith.constant 2048 : index
    %get3A_57 = arith.constant 0 : index
    %get3A_58 = vector.load %arg2[%get3A_56, %get3A_57] : memref<8192x256xf32, #tpu.memory_space<vmem>>, vector<1024x256xf32>
    %get3A_59 = arith.constant 0 : index
    %get3A_60 = arith.constant 2048 : index
    %get3A_61 = vector.load %arg4[%get3A_59, %get3A_60] : memref<1x8192xf32, #tpu.memory_space<vmem>>, vector<1x1024xf32>
    %dot_general3A_62 = arith.constant dense<0.000000e+00> : vector<256x1024xf32>
    %dot_general3A_63 = tpu.matmul %get3A_1, %get3A_58, %dot_general3A_62 {dimension_numbers = #tpu.dot_dimension_numbers<[1], [1], [0], [0], [0, 0, 1, 0], [], []>, transpose_lhs_hint = false} : vector<256x256xf32>, vector<1024x256xf32>, vector<256x1024xf32> -> vector<256x1024xf32>
    %add3A_64 = vector.broadcast %get3A_4 : vector<256x1xf32> to vector<256x1024xf32>
    %add3A_65 = vector.broadcast %get3A_61 : vector<1x1024xf32> to vector<256x1024xf32>
    %add3A_66 = arith.addf %add3A_64, %add3A_65 : vector<256x1024xf32>
    %sub3A_67 = arith.subf %add3A_66, %dot_general3A_63 : vector<256x1024xf32>
    %max3A_68 = arith.constant 0.000000e+00 : f32
    %max3A_69 = vector.broadcast %max3A_68 : f32 to vector<256x1024xf32>
    %max3A_70 = arith.maximumf %sub3A_67, %max3A_69 : vector<256x1024xf32>
    %sqrt3A_71 = math.sqrt %max3A_70 : vector<256x1024xf32>
    %iota3A_72 = tpu.iota {dimensions = array<i32: 1>} : vector<256x1024xi32>
    %add3A_73 = arith.constant 2048 : i32
    %add3A_74 = vector.broadcast %add3A_73 : i32 to vector<256x1024xi32>
    %add3A_75 = arith.addi %iota3A_72, %add3A_74 : vector<256x1024xi32>
    %get3A_76 = arith.constant 0 : index
    %get3A_77 = arith.constant 0 : index
    %get3A_78 = vector.load %arg7[%get3A_76, %get3A_77] : memref<256x1024xf32, #tpu.memory_space<vmem>>, vector<256x1024xf32>
    %lt3A_79 = arith.cmpf olt, %sqrt3A_71, %get3A_78 : vector<256x1024xf32>
    %get3A_80 = arith.constant 0 : index
    %get3A_81 = arith.constant 0 : index
    %get3A_82 = vector.load %arg8[%get3A_80, %get3A_81] : memref<256x1024xi32, #tpu.memory_space<vmem>>, vector<256x1024xi32>
    %select_n3A_83 = arith.select %lt3A_79, %add3A_75, %get3A_82 : vector<256x1024xi1>, vector<256x1024xi32>
    %swap3A_84 = arith.constant 0 : index
    %swap3A_85 = arith.constant 0 : index
    %swap3A_86 = vector.load %arg8[%swap3A_84, %swap3A_85] : memref<256x1024xi32, #tpu.memory_space<vmem>>, vector<256x1024xi32>
    tpu.vector_store %arg8[%swap3A_84, %swap3A_85], %select_n3A_83 {strides = array<i32>} : memref<256x1024xi32, #tpu.memory_space<vmem>>, vector<256x1024xi32>,
    %min3A_87 = arith.minimumf %get3A_78, %sqrt3A_71 : vector<256x1024xf32>
    %swap3A_88 = arith.constant 0 : index
    %swap3A_89 = arith.constant 0 : index
    %swap3A_90 = vector.load %arg7[%swap3A_88, %swap3A_89] : memref<256x1024xf32, #tpu.memory_space<vmem>>, vector<256x1024xf32>
    tpu.vector_store %arg7[%swap3A_88, %swap3A_89], %min3A_87 {strides = array<i32>} : memref<256x1024xf32, #tpu.memory_space<vmem>>, vector<256x1024xf32>,
    %get3A_91 = arith.constant 3072 : index
    %get3A_92 = arith.constant 0 : index
    %get3A_93 = vector.load %arg2[%get3A_91, %get3A_92] : memref<8192x256xf32, #tpu.memory_space<vmem>>, vector<1024x256xf32>
    %get3A_94 = arith.constant 0 : index
    %get3A_95 = arith.constant 3072 : index
    %get3A_96 = vector.load %arg4[%get3A_94, %get3A_95] : memref<1x8192xf32, #tpu.memory_space<vmem>>, vector<1x1024xf32>
    %dot_general3A_97 = arith.constant dense<0.000000e+00> : vector<256x1024xf32>
    %dot_general3A_98 = tpu.matmul %get3A_1, %get3A_93, %dot_general3A_97 {dimension_numbers = #tpu.dot_dimension_numbers<[1], [1], [0], [0], [0, 0, 1, 0], [], []>, transpose_lhs_hint = false} : vector<256x256xf32>, vector<1024x256xf32>, vector<256x1024xf32> -> vector<256x1024xf32>
    %add3A_99 = vector.broadcast %get3A_4 : vector<256x1xf32> to vector<256x1024xf32>
    %add3A_100 = vector.broadcast %get3A_96 : vector<1x1024xf32> to vector<256x1024xf32>
    %add3A_101 = arith.addf %add3A_99, %add3A_100 : vector<256x1024xf32>
    %sub3A_102 = arith.subf %add3A_101, %dot_general3A_98 : vector<256x1024xf32>
    %max3A_103 = arith.constant 0.000000e+00 : f32
    %max3A_104 = vector.broadcast %max3A_103 : f32 to vector<256x1024xf32>
    %max3A_105 = arith.maximumf %sub3A_102, %max3A_104 : vector<256x1024xf32>
    %sqrt3A_106 = math.sqrt %max3A_105 : vector<256x1024xf32>
    %iota3A_107 = tpu.iota {dimensions = array<i32: 1>} : vector<256x1024xi32>
    %add3A_108 = arith.constant 3072 : i32
    %add3A_109 = vector.broadcast %add3A_108 : i32 to vector<256x1024xi32>
    %add3A_110 = arith.addi %iota3A_107, %add3A_109 : vector<256x1024xi32>
    %get3A_111 = arith.constant 0 : index
    %get3A_112 = arith.constant 0 : index
    %get3A_113 = vector.load %arg7[%get3A_111, %get3A_112] : memref<256x1024xf32, #tpu.memory_space<vmem>>, vector<256x1024xf32>
    %lt3A_114 = arith.cmpf olt, %sqrt3A_106, %get3A_113 : vector<256x1024xf32>
    %get3A_115 = arith.constant 0 : index
    %get3A_116 = arith.constant 0 : index
    %get3A_117 = vector.load %arg8[%get3A_115, %get3A_116] : memref<256x1024xi32, #tpu.memory_space<vmem>>, vector<256x1024xi32>
    %select_n3A_118 = arith.select %lt3A_114, %add3A_110, %get3A_117 : vector<256x1024xi1>, vector<256x1024xi32>
    %swap3A_119 = arith.constant 0 : index
    %swap3A_120 = arith.constant 0 : index
    %swap3A_121 = vector.load %arg8[%swap3A_119, %swap3A_120] : memref<256x1024xi32, #tpu.memory_space<vmem>>, vector<256x1024xi32>
    tpu.vector_store %arg8[%swap3A_119, %swap3A_120], %select_n3A_118 {strides = array<i32>} : memref<256x1024xi32, #tpu.memory_space<vmem>>, vector<256x1024xi32>,
    %min3A_122 = arith.minimumf %get3A_113, %sqrt3A_106 : vector<256x1024xf32>
    %swap3A_123 = arith.constant 0 : index
    %swap3A_124 = arith.constant 0 : index
    %swap3A_125 = vector.load %arg7[%swap3A_123, %swap3A_124] : memref<256x1024xf32, #tpu.memory_space<vmem>>, vector<256x1024xf32>
    tpu.vector_store %arg7[%swap3A_123, %swap3A_124], %min3A_122 {strides = array<i32>} : memref<256x1024xf32, #tpu.memory_space<vmem>>, vector<256x1024xf32>,
    %get3A_126 = arith.constant 4096 : index
    %get3A_127 = arith.constant 0 : index
    %get3A_128 = vector.load %arg2[%get3A_126, %get3A_127] : memref<8192x256xf32, #tpu.memory_space<vmem>>, vector<1024x256xf32>
    %get3A_129 = arith.constant 0 : index
    %get3A_130 = arith.constant 4096 : index
    %get3A_131 = vector.load %arg4[%get3A_129, %get3A_130] : memref<1x8192xf32, #tpu.memory_space<vmem>>, vector<1x1024xf32>
    %dot_general3A_132 = arith.constant dense<0.000000e+00> : vector<256x1024xf32>
    %dot_general3A_133 = tpu.matmul %get3A_1, %get3A_128, %dot_general3A_132 {dimension_numbers = #tpu.dot_dimension_numbers<[1], [1], [0], [0], [0, 0, 1, 0], [], []>, transpose_lhs_hint = false} : vector<256x256xf32>, vector<1024x256xf32>, vector<256x1024xf32> -> vector<256x1024xf32>
    %add3A_134 = vector.broadcast %get3A_4 : vector<256x1xf32> to vector<256x1024xf32>
    %add3A_135 = vector.broadcast %get3A_131 : vector<1x1024xf32> to vector<256x1024xf32>
    %add3A_136 = arith.addf %add3A_134, %add3A_135 : vector<256x1024xf32>
    %sub3A_137 = arith.subf %add3A_136, %dot_general3A_133 : vector<256x1024xf32>
    %max3A_138 = arith.constant 0.000000e+00 : f32
    %max3A_139 = vector.broadcast %max3A_138 : f32 to vector<256x1024xf32>
    %max3A_140 = arith.maximumf %sub3A_137, %max3A_139 : vector<256x1024xf32>
    %sqrt3A_141 = math.sqrt %max3A_140 : vector<256x1024xf32>
    %iota3A_142 = tpu.iota {dimensions = array<i32: 1>} : vector<256x1024xi32>
    %add3A_143 = arith.constant 4096 : i32
    %add3A_144 = vector.broadcast %add3A_143 : i32 to vector<256x1024xi32>
    %add3A_145 = arith.addi %iota3A_142, %add3A_144 : vector<256x1024xi32>
    %get3A_146 = arith.constant 0 : index
    %get3A_147 = arith.constant 0 : index
    %get3A_148 = vector.load %arg7[%get3A_146, %get3A_147] : memref<256x1024xf32, #tpu.memory_space<vmem>>, vector<256x1024xf32>
    %lt3A_149 = arith.cmpf olt, %sqrt3A_141, %get3A_148 : vector<256x1024xf32>
    %get3A_150 = arith.constant 0 : index
    %get3A_151 = arith.constant 0 : index
    %get3A_152 = vector.load %arg8[%get3A_150, %get3A_151] : memref<256x1024xi32, #tpu.memory_space<vmem>>, vector<256x1024xi32>
    %select_n3A_153 = arith.select %lt3A_149, %add3A_145, %get3A_152 : vector<256x1024xi1>, vector<256x1024xi32>
    %swap3A_154 = arith.constant 0 : index
    %swap3A_155 = arith.constant 0 : index
    %swap3A_156 = vector.load %arg8[%swap3A_154, %swap3A_155] : memref<256x1024xi32, #tpu.memory_space<vmem>>, vector<256x1024xi32>
    tpu.vector_store %arg8[%swap3A_154, %swap3A_155], %select_n3A_153 {strides = array<i32>} : memref<256x1024xi32, #tpu.memory_space<vmem>>, vector<256x1024xi32>,
    %min3A_157 = arith.minimumf %get3A_148, %sqrt3A_141 : vector<256x1024xf32>
    %swap3A_158 = arith.constant 0 : index
    %swap3A_159 = arith.constant 0 : index
    %swap3A_160 = vector.load %arg7[%swap3A_158, %swap3A_159] : memref<256x1024xf32, #tpu.memory_space<vmem>>, vector<256x1024xf32>
    tpu.vector_store %arg7[%swap3A_158, %swap3A_159], %min3A_157 {strides = array<i32>} : memref<256x1024xf32, #tpu.memory_space<vmem>>, vector<256x1024xf32>,
    %get3A_161 = arith.constant 5120 : index
    %get3A_162 = arith.constant 0 : index
    %get3A_163 = vector.load %arg2[%get3A_161, %get3A_162] : memref<8192x256xf32, #tpu.memory_space<vmem>>, vector<1024x256xf32>
    %get3A_164 = arith.constant 0 : index
    %get3A_165 = arith.constant 5120 : index
    %get3A_166 = vector.load %arg4[%get3A_164, %get3A_165] : memref<1x8192xf32, #tpu.memory_space<vmem>>, vector<1x1024xf32>
    %dot_general3A_167 = arith.constant dense<0.000000e+00> : vector<256x1024xf32>
    %dot_general3A_168 = tpu.matmul %get3A_1, %get3A_163, %dot_general3A_167 {dimension_numbers = #tpu.dot_dimension_numbers<[1], [1], [0], [0], [0, 0, 1, 0], [], []>, transpose_lhs_hint = false} : vector<256x256xf32>, vector<1024x256xf32>, vector<256x1024xf32> -> vector<256x1024xf32>
    %add3A_169 = vector.broadcast %get3A_4 : vector<256x1xf32> to vector<256x1024xf32>
    %add3A_170 = vector.broadcast %get3A_166 : vector<1x1024xf32> to vector<256x1024xf32>
    %add3A_171 = arith.addf %add3A_169, %add3A_170 : vector<256x1024xf32>
    %sub3A_172 = arith.subf %add3A_171, %dot_general3A_168 : vector<256x1024xf32>
    %max3A_173 = arith.constant 0.000000e+00 : f32
    %max3A_174 = vector.broadcast %max3A_173 : f32 to vector<256x1024xf32>
    %max3A_175 = arith.maximumf %sub3A_172, %max3A_174 : vector<256x1024xf32>
    %sqrt3A_176 = math.sqrt %max3A_175 : vector<256x1024xf32>
    %iota3A_177 = tpu.iota {dimensions = array<i32: 1>} : vector<256x1024xi32>
    %add3A_178 = arith.constant 5120 : i32
    %add3A_179 = vector.broadcast %add3A_178 : i32 to vector<256x1024xi32>
    %add3A_180 = arith.addi %iota3A_177, %add3A_179 : vector<256x1024xi32>
    %get3A_181 = arith.constant 0 : index
    %get3A_182 = arith.constant 0 : index
    %get3A_183 = vector.load %arg7[%get3A_181, %get3A_182] : memref<256x1024xf32, #tpu.memory_space<vmem>>, vector<256x1024xf32>
    %lt3A_184 = arith.cmpf olt, %sqrt3A_176, %get3A_183 : vector<256x1024xf32>
    %get3A_185 = arith.constant 0 : index
    %get3A_186 = arith.constant 0 : index
    %get3A_187 = vector.load %arg8[%get3A_185, %get3A_186] : memref<256x1024xi32, #tpu.memory_space<vmem>>, vector<256x1024xi32>
    %select_n3A_188 = arith.select %lt3A_184, %add3A_180, %get3A_187 : vector<256x1024xi1>, vector<256x1024xi32>
    %swap3A_189 = arith.constant 0 : index
    %swap3A_190 = arith.constant 0 : index
    %swap3A_191 = vector.load %arg8[%swap3A_189, %swap3A_190] : memref<256x1024xi32, #tpu.memory_space<vmem>>, vector<256x1024xi32>
    tpu.vector_store %arg8[%swap3A_189, %swap3A_190], %select_n3A_188 {strides = array<i32>} : memref<256x1024xi32, #tpu.memory_space<vmem>>, vector<256x1024xi32>,
    %min3A_192 = arith.minimumf %get3A_183, %sqrt3A_176 : vector<256x1024xf32>
    %swap3A_193 = arith.constant 0 : index
    %swap3A_194 = arith.constant 0 : index
    %swap3A_195 = vector.load %arg7[%swap3A_193, %swap3A_194] : memref<256x1024xf32, #tpu.memory_space<vmem>>, vector<256x1024xf32>
    tpu.vector_store %arg7[%swap3A_193, %swap3A_194], %min3A_192 {strides = array<i32>} : memref<256x1024xf32, #tpu.memory_space<vmem>>, vector<256x1024xf32>,
    %get3A_196 = arith.constant 6144 : index
    %get3A_197 = arith.constant 0 : index
    %get3A_198 = vector.load %arg2[%get3A_196, %get3A_197] : memref<8192x256xf32, #tpu.memory_space<vmem>>, vector<1024x256xf32>
    %get3A_199 = arith.constant 0 : index
    %get3A_200 = arith.constant 6144 : index
    %get3A_201 = vector.load %arg4[%get3A_199, %get3A_200] : memref<1x8192xf32, #tpu.memory_space<vmem>>, vector<1x1024xf32>
    %dot_general3A_202 = arith.constant dense<0.000000e+00> : vector<256x1024xf32>
    %dot_general3A_203 = tpu.matmul %get3A_1, %get3A_198, %dot_general3A_202 {dimension_numbers = #tpu.dot_dimension_numbers<[1], [1], [0], [0], [0, 0, 1, 0], [], []>, transpose_lhs_hint = false} : vector<256x256xf32>, vector<1024x256xf32>, vector<256x1024xf32> -> vector<256x1024xf32>
    %add3A_204 = vector.broadcast %get3A_4 : vector<256x1xf32> to vector<256x1024xf32>
    %add3A_205 = vector.broadcast %get3A_201 : vector<1x1024xf32> to vector<256x1024xf32>
    %add3A_206 = arith.addf %add3A_204, %add3A_205 : vector<256x1024xf32>
    %sub3A_207 = arith.subf %add3A_206, %dot_general3A_203 : vector<256x1024xf32>
    %max3A_208 = arith.constant 0.000000e+00 : f32
    %max3A_209 = vector.broadcast %max3A_208 : f32 to vector<256x1024xf32>
    %max3A_210 = arith.maximumf %sub3A_207, %max3A_209 : vector<256x1024xf32>
    %sqrt3A_211 = math.sqrt %max3A_210 : vector<256x1024xf32>
    %iota3A_212 = tpu.iota {dimensions = array<i32: 1>} : vector<256x1024xi32>
    %add3A_213 = arith.constant 6144 : i32
    %add3A_214 = vector.broadcast %add3A_213 : i32 to vector<256x1024xi32>
    %add3A_215 = arith.addi %iota3A_212, %add3A_214 : vector<256x1024xi32>
    %get3A_216 = arith.constant 0 : index
    %get3A_217 = arith.constant 0 : index
    %get3A_218 = vector.load %arg7[%get3A_216, %get3A_217] : memref<256x1024xf32, #tpu.memory_space<vmem>>, vector<256x1024xf32>
    %lt3A_219 = arith.cmpf olt, %sqrt3A_211, %get3A_218 : vector<256x1024xf32>
    %get3A_220 = arith.constant 0 : index
    %get3A_221 = arith.constant 0 : index
    %get3A_222 = vector.load %arg8[%get3A_220, %get3A_221] : memref<256x1024xi32, #tpu.memory_space<vmem>>, vector<256x1024xi32>
    %select_n3A_223 = arith.select %lt3A_219, %add3A_215, %get3A_222 : vector<256x1024xi1>, vector<256x1024xi32>
    %swap3A_224 = arith.constant 0 : index
    %swap3A_225 = arith.constant 0 : index
    %swap3A_226 = vector.load %arg8[%swap3A_224, %swap3A_225] : memref<256x1024xi32, #tpu.memory_space<vmem>>, vector<256x1024xi32>
    tpu.vector_store %arg8[%swap3A_224, %swap3A_225], %select_n3A_223 {strides = array<i32>} : memref<256x1024xi32, #tpu.memory_space<vmem>>, vector<256x1024xi32>,
    %min3A_227 = arith.minimumf %get3A_218, %sqrt3A_211 : vector<256x1024xf32>
    %swap3A_228 = arith.constant 0 : index
    %swap3A_229 = arith.constant 0 : index
    %swap3A_230 = vector.load %arg7[%swap3A_228, %swap3A_229] : memref<256x1024xf32, #tpu.memory_space<vmem>>, vector<256x1024xf32>
    tpu.vector_store %arg7[%swap3A_228, %swap3A_229], %min3A_227 {strides = array<i32>} : memref<256x1024xf32, #tpu.memory_space<vmem>>, vector<256x1024xf32>,
    %get3A_231 = arith.constant 7168 : index
    %get3A_232 = arith.constant 0 : index
    %get3A_233 = vector.load %arg2[%get3A_231, %get3A_232] : memref<8192x256xf32, #tpu.memory_space<vmem>>, vector<1024x256xf32>
    %get3A_234 = arith.constant 0 : index
    %get3A_235 = arith.constant 7168 : index
    %get3A_236 = vector.load %arg4[%get3A_234, %get3A_235] : memref<1x8192xf32, #tpu.memory_space<vmem>>, vector<1x1024xf32>
    %dot_general3A_237 = arith.constant dense<0.000000e+00> : vector<256x1024xf32>
    %dot_general3A_238 = tpu.matmul %get3A_1, %get3A_233, %dot_general3A_237 {dimension_numbers = #tpu.dot_dimension_numbers<[1], [1], [0], [0], [0, 0, 1, 0], [], []>, transpose_lhs_hint = false} : vector<256x256xf32>, vector<1024x256xf32>, vector<256x1024xf32> -> vector<256x1024xf32>
    %add3A_239 = vector.broadcast %get3A_4 : vector<256x1xf32> to vector<256x1024xf32>
    %add3A_240 = vector.broadcast %get3A_236 : vector<1x1024xf32> to vector<256x1024xf32>
    %add3A_241 = arith.addf %add3A_239, %add3A_240 : vector<256x1024xf32>
    %sub3A_242 = arith.subf %add3A_241, %dot_general3A_238 : vector<256x1024xf32>
    %max3A_243 = arith.constant 0.000000e+00 : f32
    %max3A_244 = vector.broadcast %max3A_243 : f32 to vector<256x1024xf32>
    %max3A_245 = arith.maximumf %sub3A_242, %max3A_244 : vector<256x1024xf32>
    %sqrt3A_246 = math.sqrt %max3A_245 : vector<256x1024xf32>
    %iota3A_247 = tpu.iota {dimensions = array<i32: 1>} : vector<256x1024xi32>
    %add3A_248 = arith.constant 7168 : i32
    %add3A_249 = vector.broadcast %add3A_248 : i32 to vector<256x1024xi32>
    %add3A_250 = arith.addi %iota3A_247, %add3A_249 : vector<256x1024xi32>
    %get3A_251 = arith.constant 0 : index
    %get3A_252 = arith.constant 0 : index
    %get3A_253 = vector.load %arg7[%get3A_251, %get3A_252] : memref<256x1024xf32, #tpu.memory_space<vmem>>, vector<256x1024xf32>
    %lt3A_254 = arith.cmpf olt, %sqrt3A_246, %get3A_253 : vector<256x1024xf32>
    %get3A_255 = arith.constant 0 : index
    %get3A_256 = arith.constant 0 : index
    %get3A_257 = vector.load %arg8[%get3A_255, %get3A_256] : memref<256x1024xi32, #tpu.memory_space<vmem>>, vector<256x1024xi32>
    %select_n3A_258 = arith.select %lt3A_254, %add3A_250, %get3A_257 : vector<256x1024xi1>, vector<256x1024xi32>
    %swap3A_259 = arith.constant 0 : index
    %swap3A_260 = arith.constant 0 : index
    %swap3A_261 = vector.load %arg8[%swap3A_259, %swap3A_260] : memref<256x1024xi32, #tpu.memory_space<vmem>>, vector<256x1024xi32>
    tpu.vector_store %arg8[%swap3A_259, %swap3A_260], %select_n3A_258 {strides = array<i32>} : memref<256x1024xi32, #tpu.memory_space<vmem>>, vector<256x1024xi32>,
    %min3A_262 = arith.minimumf %get3A_253, %sqrt3A_246 : vector<256x1024xf32>
    %swap3A_263 = arith.constant 0 : index
    %swap3A_264 = arith.constant 0 : index
    %swap3A_265 = vector.load %arg7[%swap3A_263, %swap3A_264] : memref<256x1024xf32, #tpu.memory_space<vmem>>, vector<256x1024xf32>
    tpu.vector_store %arg7[%swap3A_263, %swap3A_264], %min3A_262 {strides = array<i32>} : memref<256x1024xf32, #tpu.memory_space<vmem>>, vector<256x1024xf32>,
    %get3A_266 = arith.constant 0 : index
    %get3A_267 = arith.constant 0 : index
    %get3A_268 = vector.load %arg7[%get3A_266, %get3A_267] : memref<256x1024xf32, #tpu.memory_space<vmem>>, vector<256x1024xf32>
    %reduce_min3A = arith.constant dense<0x7F800000> : vector<256xf32>
    %reduce_min3A_269 = vector.multi_reduction <minimumf>, %get3A_268, %reduce_min3A [1] : vector<256x1024xf32> to vector<256xf32>
    %broadcast_in_dim3A = vector.shape_cast %reduce_min3A_269 : vector<256xf32> to vector<256x1xf32>
    %eq3A = vector.broadcast %broadcast_in_dim3A : vector<256x1xf32> to vector<256x1024xf32>
    %eq3A_270 = arith.cmpf oeq, %get3A_268, %eq3A : vector<256x1024xf32>
    %get3A_271 = arith.constant 0 : index
    %get3A_272 = arith.constant 0 : index
    %get3A_273 = vector.load %arg8[%get3A_271, %get3A_272] : memref<256x1024xi32, #tpu.memory_space<vmem>>, vector<256x1024xi32>
    %jit3A = arith.constant 8192 : i32
    %broadcast_in_dim3A_274 = vector.broadcast %jit3A : i32 to vector<256x1024xi32>
    %select_n3A_275 = arith.select %eq3A_270, %get3A_273, %broadcast_in_dim3A_274 : vector<256x1024xi1>, vector<256x1024xi32>
    %reduce_min3A_276 = arith.constant dense<2147483647> : vector<256xi32>
    %reduce_min3A_277 = vector.multi_reduction <minsi>, %select_n3A_275, %reduce_min3A_276 [1] : vector<256x1024xi32> to vector<256xi32>
    %swap3A_278 = arith.constant 0 : index
    %swap3A_279 = vector.load %arg5[%swap3A_278] : memref<256xi32, #tpu.memory_space<vmem>>, vector<256xi32>
    tpu.vector_store %arg5[%swap3A_278], %reduce_min3A_277 {strides = array<i32>} : memref<256xi32, #tpu.memory_space<vmem>>, vector<256xi32>,
    %mul3A = arith.mulf %broadcast_in_dim3A, %broadcast_in_dim3A : vector<256x1xf32>
    %reduce_sum3A = vector.shape_cast %mul3A : vector<256x1xf32> to vector<1x256x1xf32>
    %reduce_sum3A_280 = arith.constant dense<0.000000e+00> : vector<1xf32>
    %reduce_sum3A_281 = vector.multi_reduction <add>, %reduce_sum3A, %reduce_sum3A_280 [1, 2] : vector<1x256x1xf32> to vector<1xf32>
    %reduce_sum3A_282 = vector.shape_cast %reduce_sum3A_281 : vector<1xf32> to vector<1x1x1xf32>
    %reduce_sum3A_283 = vector.extract %reduce_sum3A_282[0, 0, 0] : f32 from vector<1x1x1xf32>
    %eq3A_284 = arith.constant 0 : i32
    %eq3A_285 = arith.cmpi eq, %arg0, %eq3A_284 : i32
    %convert_element_type3A = arith.extui %eq3A_285 : i1 to i32
    %cond3A = arith.constant 0 : i32
    %cond3A_286 = arith.cmpi ne, %convert_element_type3A, %cond3A : i32
    scf.if %cond3A_286 {
      %swap3A_291 = arith.constant 0 : index
      %swap3A_292 = arith.constant 0 : index
      %swap3A_293 = memref.load %arg6[%swap3A_291, %swap3A_292] : memref<1x1xf32, #tpu.memory_space<smem>>
      memref.store %reduce_sum3A_283, %arg6[%swap3A_291, %swap3A_292] : memref<1x1xf32, #tpu.memory_space<smem>>
    } else {
    }
    %gt3A = arith.constant 0 : i32
    %gt3A_287 = arith.cmpi sgt, %arg0, %gt3A : i32
    %convert_element_type3A_288 = arith.extui %gt3A_287 : i1 to i32
    %cond3A_289 = arith.constant 0 : i32
    %cond3A_290 = arith.cmpi ne, %convert_element_type3A_288, %cond3A_289 : i32
    scf.if %cond3A_290 {
      %get3A_291 = arith.constant 0 : index
      %get3A_292 = arith.constant 0 : index
      %get3A_293 = memref.load %arg6[%get3A_291, %get3A_292] : memref<1x1xf32, #tpu.memory_space<smem>>
      %add3A_294 = arith.addf %get3A_293, %reduce_sum3A_283 : f32
      %swap3A_295 = arith.constant 0 : index
      %swap3A_296 = arith.constant 0 : index
      %swap3A_297 = memref.load %arg6[%swap3A_295, %swap3A_296] : memref<1x1xf32, #tpu.memory_space<smem>>
      memref.store %add3A_294, %arg6[%swap3A_295, %swap3A_296] : memref<1x1xf32, #tpu.memory_space<smem>>
    } else {
    }
    return
  }
  func.func @transform_0(%arg0: i32) -> (i32, i32) {
    %c0_i32 = arith.constant 0 : i32
    %c0_i32_0 = arith.constant 0 : i32
    return %arg0, %c0_i32 : i32, i32
  }
  func.func @transform_1(%arg0: i32) -> (i32, i32) {
    %c0_i32 = arith.constant 0 : i32
    %c0_i32_0 = arith.constant 0 : i32
    %c0_i32_1 = arith.constant 0 : i32
    return %c0_i32, %c0_i32_0 : i32, i32
  }
  func.func @transform_2(%arg0: i32) -> (i32, i32) {
    %c0_i32 = arith.constant 0 : i32
    %c0_i32_0 = arith.constant 0 : i32
    return %arg0, %c0_i32 : i32, i32
  }
  func.func @transform_3(%arg0: i32) -> (i32, i32) {
    %c0_i32 = arith.constant 0 : i32
    %c0_i32_0 = arith.constant 0 : i32
    %c0_i32_1 = arith.constant 0 : i32
    return %c0_i32, %c0_i32_0 : i32, i32
  }
  func.func @transform_4(%arg0: i32) -> i32 {
    %c0_i32 = arith.constant 0 : i32
    return %arg0 : i32
  }
  func.func @transform_5(%arg0: i32) -> (i32, i32) {
    %c0_i32 = arith.constant 0 : i32
    %c0_i32_0 = arith.constant 0 : i32
    %c0_i32_1 = arith.constant 0 : i32
    return %c0_i32, %c0_i32_0 : i32, i32
  }
}

</mosaic_0001>

<sc_bundles>
// kernel: kernel.4.cloned.1.call-start
scs
__scs_entry_jumppad:
0x0: {  	(pc) =	sbr.rel $0x88, $3  }
0x1: {  	(tag) =	ssettag $0x0;
	lr =	simm.s32 $0x1  }
0x2: {  	[smem:$0x3F9F] =	sst lr;
	_ =	strace $0xD0000000  }
0x3: {  	_ = 	snop  }
0x4: {  	_ = 	snop  }
0x5: {  	_ = 	snop  }
0x6: {  	_ = 	snop  }
0x7: {  	_ = 	snop  }
__scs_overlays_trampoline_lowered:
0x8: {  	[smem:$0x3FAE] =	sst s0  }
0x9: {  	[smem:$0x3FAF] =	sst s1  }
0xa: {  	[smem:$0x3FB0] =	sst s2  }
0xb: {  	[smem:$0x3FB1] =	sst s3  }
0xc: {  	[smem:$0x3FB2] =	sst s4  }
0xd: {  	[smem:$0x3FB3] =	sst s5  }
0xe: {  	[smem:$0x3FB4] =	sst s6  }
0xf: {  	[smem:$0x3FB5] =	sst s7  }
0x10: {  	[smem:$0x3FB6] =	sst s8  }
0x11: {  	[smem:$0x3FB7] =	sst s9;
	s0 =	simm.s32 @!p0 $0x0  }
0x12: {  	s1 =	sld [smem:$0x3F9D];
	s0 =	simm.s32 @p0 $0x1  }
0x13: {  	[smem:$0x3FB8] =	sst s0;
	s0 =	simm.s32 @!p1 $0x0  }
0x14: {  	s2 =	sld [smem:$0x3F9C];
	s0 =	simm.s32 @p1 $0x1  }
0x15: {  	[smem:$0x3FB9] =	sst s0;
	s0 =	simm.s32 @!p2 $0x0  }
0x16: {  	s3 =	sld [smem:$0x3FDB];
	s0 =	simm.s32 @p2 $0x1  }
0x17: {  	s4 =	simm.s32 $0x1BF5;
	[smem:$0x3FBB] =	sst s0  }
0x18: {  	s0 =	sld [smem:$0x3F9E];
	_ =	swait.ge [sflag:s4], $0x0  }
0x19: {  	s7 =	sld [smem:$0x3F9F]  }
0x1a: {  	s8 =	sadd.s32 $0xFFFFE003, lr  }
0x1b: {  	s9 =	sadd.s32 $0xFFFFFEF7, lr;
	s5 =	simm.s32 $0xFFFFFFFF;
	p2 =	slt.u32 s8, $0xFFFFF086  }
0x1c: {  	p1 =	slt.u32 s9, $0xF7A;
	s5 =	simm.s32 @!p2 $0x0  }
0x1d: {  	s5 =	simm.s32 @p1 $0x1;
	p0 =	seq.s32 s7, s2  }
0x1e: {  	s7 =	smul.u32 @!p0 $0xF7A, s2;
	p2 =	seq.s32 @!p0 s5, $0x0  }
0x1f: {  	s9 =	smul.u32 $0xF7A, s1;
	s8 =	simm.s32 @!p0 $0x1BF5;
	p2 =	por !p2, p0  }
0x20: {  	[sflag:s8] =	ssyncset.s32 @!p0 $0xFFFFF086;
	s6 =	sadd.s32 @!p0 s3, s7;
	s7 =	simm.s32 @!p0 $0x108  }
0x21: {  	s3 =	sadd.s32 s3, s9;
	s6 =	sadd.s32 @!p0 $0x88, s6;
	s7 =	simm.s32 @p2 $0x1082  }
0x22: {  	[simem:s7], [sflag:s8] =	dma.local @!p0 [hbm:s6], $0xF7A  }
0x23: {  	s9 =	sor.u32 $0xD0000000, s2;
	s6 =	simm.s32 $0x108;
	_ =	swait.ge @!p0 [sflag:s8], $0x0  }
0x24: {  	s3 =	sadd.s32 $0x88, s3;
	s6 =	simm.s32 @!p1 $0x1082;
	[sflag:s4] =	ssyncset.s32 $0xFFFFF086  }
0x25: {  	[simem:s6], [sflag:s4] =	dma.local [hbm:s3], $0xF7A  }
0x26: {  	[smem:$0x3F9F] =	sst s1;
	(tag) =	ssettag s2;
	_ =	strace s9  }
0x27: {  	s1 =	sld [smem:$0x3FAF]  }
0x28: {  	s2 =	sld [smem:$0x3FB0]  }
0x29: {  	s4 =	sld [smem:$0x3FB2]  }
0x2a: {  	p0 =	seq.s32 s5, $0x0;
	s5 =	sld [smem:$0x3FB3]  }
0x2b: {  	s6 =	sld [smem:$0x3FB4]  }
0x2c: {  	s7 =	sld [smem:$0x3FB5]  }
0x2d: {  	s3 =	simm.s32 $0x108;
	s8 =	sld [smem:$0x3FB6]  }
0x2e: {  	s3 =	simm.s32 @!p0 $0x1082;
	s9 =	sld [smem:$0x3FB7]  }
0x2f: {  	lr =	sadd.s32 s0, s3;
	s0 =	sld [smem:$0x3FAE]  }
0x30: {  	s3 =	sld [smem:$0x3FB1]  }
0x31: {  	[smem:$0x3FBA] =	sst s10  }
0x32: {  	s10 =	sld [smem:$0x3FB8];
	_ =	sdelay $0x3  }
0x33: {  	p0 =	seq.s32 s10, $0x1;
	s10 =	sld [smem:$0x3FBA];
	_ =	sdelay $0x3  }
0x34: {  	[smem:$0x3FBA] =	sst s10  }
0x35: {  	s10 =	sld [smem:$0x3FB9];
	_ =	sdelay $0x3  }
0x36: {  	p1 =	seq.s32 s10, $0x1;
	s10 =	sld [smem:$0x3FBA];
	_ =	sdelay $0x3  }
0x37: {  	[smem:$0x3FBA] =	sst s10  }
0x38: {  	s10 =	sld [smem:$0x3FBB]  }
0x39: {  	_ = 	snop;
	(pc) =	sbr.ind lr, $3  }
0x3a: {  	_ = 	snop  }
0x3b: {  	_ = 	snop  }
0x3c: {  	p2 =	seq.s32 s10, $0x1;
	s10 =	sld [smem:$0x3FBA]  }
0x3d: {  	_ =	shalt  }
0x3e: {  	_ =	shalt  }
0x3f: {  	_ =	shalt  }
0x40: {  	_ =	shalt  }
0x41: {  	_ =	shalt  }
0x42: {  	_ =	shalt  }
0x43: {  	_ =	shalt  }
0x44: {  	_ =	shalt  }
0x45: {  	_ =	shalt  }
0x46: {  	_ =	shalt  }
0x47: {  	_ =	shalt  }
0x48: {  	_ =	shalt  }
0x49: {  	_ =	shalt  }
0x4a: {  	_ =	shalt  }
0x4b: {  	_ =	shalt  }
0x4c: {  	_ =	shalt  }
0x4d: {  	_ =	shalt  }
0x4e: {  	_ =	shalt  }
0x4f: {  	_ =	shalt  }
0x50: {  	_ =	shalt  }
0x51: {  	_ =	shalt  }
0x52: {  	_ =	shalt  }
0x53: {  	_ =	shalt  }
0x54: {  	_ =	shalt  }
0x55: {  	_ =	shalt  }
0x56: {  	_ =	shalt  }
0x57: {  	_ =	shalt  }
0x58: {  	_ =	shalt  }
0x59: {  	_ =	shalt  }
0x5a: {  	_ =	shalt  }
0x5b: {  	_ =	shalt  }
0x5c: {  	_ =	shalt  }
0x5d: {  	_ =	shalt  }
0x5e: {  	_ =	shalt  }
0x5f: {  	_ =	shalt  }
0x60: {  	_ =	shalt  }
0x61: {  	_ =	shalt  }
0x62: {  	_ =	shalt  }
0x63: {  	_ =	shalt  }
0x64: {  	_ =	shalt  }
0x65: {  	_ =	shalt  }
0x66: {  	_ =	shalt  }
0x67: {  	_ =	shalt  }
0x68: {  	_ =	shalt  }
0x69: {  	_ =	shalt  }
0x6a: {  	_ =	shalt  }
0x6b: {  	_ =	shalt  }
0x6c: {  	_ =	shalt  }
0x6d: {  	_ =	shalt  }
0x6e: {  	_ =	shalt  }
0x6f: {  	_ =	shalt  }
0x70: {  	_ =	shalt  }
0x71: {  	_ =	shalt  }
0x72: {  	_ =	shalt  }
0x73: {  	_ =	shalt  }
0x74: {  	_ =	shalt  }
0x75: {  	_ =	shalt  }
0x76: {  	_ =	shalt  }
0x77: {  	_ =	shalt  }
0x78: {  	_ =	shalt  }
0x79: {  	_ =	shalt  }
0x7a: {  	_ =	shalt  }
0x7b: {  	_ =	shalt  }
0x7c: {  	_ =	shalt  }
0x7d: {  	_ =	shalt  }
0x7e: {  	_ =	shalt  }
0x7f: {  	_ =	shalt  }
0x80: {  	_ =	shalt  }
0x81: {  	_ =	shalt  }
0x82: {  	_ =	shalt  }
0x83: {  	_ =	shalt  }
0x84: {  	_ =	shalt  }
0x85: {  	_ =	shalt  }
0x86: {  	_ =	shalt  }
0x87: {  	_ =	shalt  }
.Lfunc_end0:
.L_simem_size_0:
called_computation_lowered:
.L_overlay_start_0:
0x88: {  	s2 =	sld [smem:$0x3FD9]  }
0x89: {  	s3 =	sld [smem:$0x3FFE];
	_ =	sdelay $0x1  }
0x8a: {  	s1 =	srdreg.scid  }
0x8b: {  	s0 =	sand.u32 $0x1, s1  }
0x8c: {  	s14 =	sshll.u32 s0, $0xA;
	s2 =	sadd.s32 s3, s2  }
0x8d: {  	s2 =	sadd.s32 s2, s14  }
0x8e: {  	[smem:$0x3FC6] =	sst s2  }
0x8f: {  	_ = 	snop  }
0x90: {  	s2 =	sld [smem:$0x3FD0];
	_ =	sdelay $0x2  }
0x91: {  	s4 =	simm.s32 $0xA;
	s5 =	simm.s32 $0x10;
	s15 =	sld [smem:$0x3FC8]  }
0x92: {  	[smem:s5], [sflag:s4] =	dma.local [hbm:s2], $0x1  }
0x93: {  	_ =	swait.eq [sflag:s4], $0x1  }
0x94: {  	[sflag:s4] =	ssyncset.done $0x0  }
0x95: {  	[sflag:s4] =	ssyncadd.s32 $0xFFFFFFFF  }
0x96: {  	s16 =	sld [smem:$0x11];
	(tm) =	ssettm $0x1  }
0x97: {  	s17 =	sld [smem:$0x3FFB];
	_ =	sdelay $0x3  }
0x98: {  	_ =	strace s17  }
0x99: {  	s4 =	sld [smem:$0x3FFC];
	_ =	sdelay $0x3  }
0x9a: {  	_ =	strace s4  }
0x9b: {  	s4 =	sld [smem:$0x3FFD];
	_ =	sdelay $0x3  }
0x9c: {  	_ =	strace s4  }
0x9d: {  	_ =	strace $0x8FFFFFFF  }
0x9e: {  	s18 =	sld [smem:$0x3FDB];
	_ =	sdelay $0x1  }
0x9f: {  	s19 =	simm.s32 $_scs_section_size  }
0xa0: {  	s6 =	simm.s32 $_size__tile_overlayer_lowered;
	s7 =	simm.s32 $_tile_overlayer_lowered  }
0xa1: {  	s22 =	simm.s32 $0x1BFF;
	s21 =	sshll.u32 s7, $0x1;
	s4 =	sadd.s32 s19, s18  }
0xa2: {  	s8 =	simm.s32 $0x0;
	s20 =	sshll.u32 s6, $0x1;
	s6 =	sadd.s32 s21, s4  }
0xa3: {  	[timem:s8], [sflag:s22] =	dma.local [hbm:s6], s20  }
0xa4: {  	_ =	swait.ge [sflag:s22], s20  }
0xa5: {  	s5 =	ssub.s32 $0x0, s20;
	[sflag:s22] =	ssyncset.done $0x0  }
0xa6: {  	[sflag:s22] =	ssyncadd.s32 s5;
	_ =	sdelay $0x1  }
0xa7: {  	s23 =	simm.s32 $0x1B8B  }
0xa8: {  	_ =	swait.ge [sflag:s23], $0x1  }
0xa9: {  	[sflag:s23] =	ssyncset.done $0x0  }
0xaa: {  	s25 =	simm.s32 $0x1B8E;
	s24 =	sld [smem:$0x3FFE];
	[sflag:s23] =	ssyncadd.s32 $0xFFFFFFFF  }
0xab: {  	s26 =	simm.s32 $execute0_lowered;
	[smem:$0x3FD2] =	sst s25  }
0xac: {  	s6 =	sshll.u32 s26, $0x1;
	_ =	strace $0x80000046;
	[dreg:$0x1] =	wrdreg $0xFFFFFFFF  }
0xad: {  	s28 =	simm.s32 $_size_execute0_lowered;
	s4 =	sadd.s32 s4, s6;
	[dreg:$0x0] =	wrdreg $0x0  }
0xae: {  	s6 =	sshll.u32 s28, $0x1;
	[dreg:$0x2] =	wrdreg s4  }
0xaf: {  	[dreg:$0x3] =	wrdreg s6  }
0xb0: {  	[dreg:$0x4] =	wrdreg $0xC0  }
0xb1: {  	_ =	task [dreg:s8], $0x5FFFF  }
0xb2: {  	[dreg:$0x1] =	wrdreg $0xFFFFFFFF  }
0xb3: {  	[dreg:$0x0] =	wrdreg $0x60  }
0xb4: {  	[dreg:$0x2] =	wrdreg s15  }
0xb5: {  	[dreg:$0x3] =	wrdreg s24  }
0xb6: {  	[dreg:$0x4] =	wrdreg s16  }
0xb7: {  	[dreg:$0x5] =	wrdreg $0x9  }
0xb8: {  	_ =	task.clear_ibuf [dreg:s8], $0x6FFFF;
	_ =	strace $0x90000046  }
0xb9: {  	s29 =	simm.s32 $0x9;
	_ =	strace $0x80000048  }
0xba: {  	_ =	swait.ge [sflag:s29], $0x1  }
0xbb: {  	[sflag:s29] =	ssyncadd.s32 $0xFFFFFFFF  }
0xbc: {  	_ =	strace $0x90000048  }
0xbd: {  	_ =	sfence  }
0xbe: {  	s30 =	sld [smem:$0x0];
	_ =	sdelay $0x2  }
0xbf: {  	s31 =	sshll.u32 s1, $0xD;
	s1 =	sshrl.u32 s1, $0x2  }
0xc0: {  	s3 =	sand.u32 $0x4000, s31;
	s1 =	sadd.s32 s1, s30  }
0xc1: {  	s0 =	sor.u32 s3, s0;
	s1 =	sshll.u32 s1, $0x11  }
0xc2: {  	s0 =	sor.u32 s1, s0  }
0xc3: {  	s0 =	sadd.s32 $0x8F2B, s0  }
0xc4: {  	[sflag:s0] =	ssyncadd.remote.s32 $0x1  }
0xc5: {  	_ =	sfence.sel $0xFFFF  }
0xc6: {  	[dreg:$0x0] =	wrdreg $0xFFFFFFFF;
	(pc) =	sbr.abs _section_cstart, $3  }
0xc7: {  	[dreg:$0x1] =	wrdreg $0xFFFFFFFF  }
0xc8: {  	_ =	task.clear_ibuf [dreg:s8], $0x2FFFF;
	_ =	strace $0x9FFFFFFF  }
0xc9: {  	(tm) =	ssettm $0x7FFFFFFF  }
tec
execute0_lowered:
.L_overlay_start_1:
0x0: {  	(tag) =	ssettag $0x1  }
0x1: {  	s1 =	rddreg [dreg:$0x0]  }
0x2: {  	s0 =	rddreg [dreg:$0x1]  }
0x3: {  	s2 =	srdreg.scid;
	s3 =	stileid.u32  }
0x4: {  	s4 =	rddreg [dreg:$0x2];
	s28 =	simm.s32 $0x9900;
	s29 =	simm.s32 $0xA100  }
0x5: {  	s30 =	simm.s32 $0xA900;
	s2 =	sand.u32 $0x1, s2;
	s5 =	sshll.u32 s3, $0x1  }
0x6: {  	s31 =	simm.s32 $0xB100;
	s3 =	simm.s32 $0x0;
	s5 =	sor.u32 s2, s5  }
0x7: {  	s0 =	sadd.s32 $0x400, s0;
	s2 =	ssub.s32 $0x2, s2;
	s6 =	smul.u32 $0x240, s5  }
0x8: {  	[smem:$0x7FF] =	sst s3;
	s5 =	smul.u32 $0x4800, s5;
	s19 =	sshrl.u32 s2, $0x1  }
0x9: {  	_ =	strace $0x80000047;
	s2 =	ssub.s32 s2, s19;
	s19 =	simm.s32 $0x100  }
0xa: {  	s7 =	sshrl.u32 s6, $0x3;
	s8 =	sadd.s32 $0x60, s6;
	s5 =	sadd.s32 s4, s5  }
0xb: {  	s11 =	sadd.s32 $0xC0, s6;
	s13 =	sadd.s32 $0x120, s6;
	s18 =	sadd.s32 $0x180, s6  }
0xc: {  	s6 =	sadd.s32 $0x1E0, s6;
	s7 =	sadd.s32 s0, s7;
	s9 =	sshrl.u32 s8, $0x3  }
0xd: {  	[dreg:$0x6] =	wrdreg s5;
	s12 =	sshrl.u32 s11, $0x3;
	s8 =	sshll.u32 s8, $0x5  }
0xe: {  	s15 =	sshrl.u32 s13, $0x3;
	s20 =	sshrl.u32 s18, $0x3;
	s22 =	sshrl.u32 s6, $0x3  }
0xf: {  	s23 =	sshll.u32 s18, $0x5;
	s25 =	sshll.u32 s6, $0x5;
	s18 =	simm.s32 $0x5900  }
0x10: {  	s6 =	simm.s32 $0x6100;
	[dreg:$0x4] =	wrdreg s7;
	s10 =	sadd.s32 s0, s9  }
0x11: {  	s5 =	sadd.s32 s0, s12;
	s14 =	sadd.s32 s4, s8;
	s16 =	sadd.s32 s0, s15  }
0x12: {  	s7 =	sshll.u32 s11, $0x5;
	s9 =	sshll.u32 s13, $0x5;
	s24 =	sadd.s32 s4, s23  }
0x13: {  	s26 =	sadd.s32 s4, s25;
	s8 =	simm.s32 $0x900;
	[dreg:$0x5] =	wrdreg s10  }
0x14: {  	s11 =	simm.s32 $0x2100;
	s12 =	simm.s32 $0x2900;
	[dreg:$0x7] =	wrdreg s5  }
0x15: {  	s13 =	simm.s32 $0x3100;
	s15 =	simm.s32 $0x4100;
	[dreg:$0x8] =	wrdreg s14  }
0x16: {  	s23 =	simm.s32 $0x7900;
	s25 =	simm.s32 $0x8900;
	[dreg:$0x9] =	wrdreg s16  }
0x17: {  	s17 =	sadd.s32 s4, s7;
	s5 =	sadd.s32 s0, s20;
	[dreg:$0xe] =	wrdreg s24  }
0x18: {  	s21 =	sadd.s32 s4, s9;
	s0 =	sadd.s32 s0, s22;
	[dreg:$0xf] =	wrdreg s26  }
0x19: {  	s4 =	smax.u32 s2, $0x1;
	s2 =	simm.s32 $0x1;
	s9 =	simm.s32 $0x1100  }
0x1a: {  	s10 =	simm.s32 $0x1900;
	s14 =	simm.s32 $0x3900;
	[dreg:$0xa] =	wrdreg s17  }
0x1b: {  	s16 =	simm.s32 $0x4900;
	s20 =	simm.s32 $0x80;
	[dreg:$0xb] =	wrdreg s5  }
0x1c: {  	v2 =	vlaneseq.u32;
	s22 =	simm.s32 $0x7100;
	s24 =	simm.s32 $0x8100;
	[dreg:$0xc] =	wrdreg s21  }
0x1d: {  	vm0 =	vmmov $0xffff;
	v1 =	vshrl.u32 v2, $0x3;
	s26 =	simm.s32 $0x9100;
	[dreg:$0xd] =	wrdreg s0;
	s5 =	simm.s32 $0x3  }
0x1e: {  	v0 =	vand.u32 $0x7, v2;
	v2 =	vor.u32 $0x8, v2;
	v1 =	vmul.u32 $0x8, v1;
	s0 =	simm.s32 $0x2;
	s17 =	simm.s32 $0x5100;
	s21 =	simm.s32 $0x6900  }
.LBB2_1:
0x1f: {  	s7 =	rddreg [dreg:$0x4]  }
0x20: {  	[tilespmem:s3], [sflag:$0x3] =	stream.linear.gather [hbm4b:s7+s3], $0x60, $0x38;
	[tilespmem:$0xC100] =	vst v63  }
0x21: {  	_ =	swait.ge [sflag:s5], $0x60  }
0x22: {  	[sflag:s5] =	ssyncset.done $0x0  }
0x23: {  	[sflag:s5] =	ssyncadd.s32 $0xFFFFFFA0  }
0x24: {  	v3 =	vld [tilespmem:$0x0];
	_ =	sdelay $0x4  }
0x25: {  	v4 =	vshll.u32 v3, $0x1  }
0x26: {  	v3 =	vand.u32 $0x7, v3;
	v4 =	vand.u32 $0xFFFFFFF0, v4  }
0x27: {  	v3 =	vor.u32 v3, v4  }
0x28: {  	v4 =	vperm.xlane v3, v0;
	_ =	sdelay $0x1  }
0x29: {  	v3 =	vperm.xlane v3, v2;
	v4 =	vadd.s32 v1, v4;
	_ =	sdelay $0x1  }
0x2a: {  	v3 =	vadd.s32 v1, v3;
	_ =	sdelay $0x2  }
0x2b: {  	[tilespmem:s19], [sflag:$0x1] =	stream.indirect_vreg.gather [hbm4b:s1+s3], $0x80, v4, vm0, $0xb8;
	[tilespmem:$0xC100] =	vst v63  }
0x2c: {  	_ = 	snop  }
0x2d: {  	[tilespmem:s8], [sflag:$0x1] =	stream.indirect_vreg.gather [hbm4b:s1+s3], $0x80, v3, vm0, $0xb8;
	[tilespmem:$0xC100] =	vst v63  }
0x2e: {  	v3 =	vld [tilespmem:$0x10];
	_ =	sdelay $0x4  }
0x2f: {  	v29 =	vshll.u32 v3, $0x1  }
0x30: {  	v3 =	vand.u32 $0x7, v3;
	v4 =	vand.u32 $0xFFFFFFF0, v29  }
0x31: {  	v3 =	vor.u32 v3, v4  }
0x32: {  	v4 =	vperm.xlane v3, v0;
	_ =	sdelay $0x1  }
0x33: {  	v3 =	vperm.xlane v3, v2;
	v4 =	vadd.s32 v1, v4;
	_ =	sdelay $0x1  }
0x34: {  	v3 =	vadd.s32 v1, v3;
	_ =	sdelay $0x2  }
0x35: {  	[tilespmem:s9], [sflag:$0x1] =	stream.indirect_vreg.gather [hbm4b:s1+s3], $0x80, v4, vm0, $0xb8;
	[tilespmem:$0xC100] =	vst v63  }
0x36: {  	_ = 	snop  }
0x37: {  	[tilespmem:s10], [sflag:$0x1] =	stream.indirect_vreg.gather [hbm4b:s1+s3], $0x80, v3, vm0, $0xb8;
	[tilespmem:$0xC100] =	vst v63  }
0x38: {  	v3 =	vld [tilespmem:$0x20];
	_ =	sdelay $0x4  }
0x39: {  	v30 =	vshll.u32 v3, $0x1  }
0x3a: {  	v3 =	vand.u32 $0x7, v3;
	v4 =	vand.u32 $0xFFFFFFF0, v30  }
0x3b: {  	v3 =	vor.u32 v3, v4  }
0x3c: {  	v4 =	vperm.xlane v3, v0;
	_ =	sdelay $0x1  }
0x3d: {  	v3 =	vperm.xlane v3, v2;
	v4 =	vadd.s32 v1, v4;
	_ =	sdelay $0x1  }
0x3e: {  	v3 =	vadd.s32 v1, v3;
	_ =	sdelay $0x2  }
0x3f: {  	[tilespmem:s11], [sflag:$0x1] =	stream.indirect_vreg.gather [hbm4b:s1+s3], $0x80, v4, vm0, $0xb8;
	[tilespmem:$0xC100] =	vst v63  }
0x40: {  	_ = 	snop  }
0x41: {  	[tilespmem:s12], [sflag:$0x1] =	stream.indirect_vreg.gather [hbm4b:s1+s3], $0x80, v3, vm0, $0xb8;
	[tilespmem:$0xC100] =	vst v63  }
0x42: {  	v3 =	vld [tilespmem:$0x30];
	_ =	sdelay $0x4  }
0x43: {  	v31 =	vshll.u32 v3, $0x1  }
0x44: {  	v3 =	vand.u32 $0x7, v3;
	v4 =	vand.u32 $0xFFFFFFF0, v31  }
0x45: {  	v3 =	vor.u32 v3, v4  }
0x46: {  	v4 =	vperm.xlane v3, v0;
	_ =	sdelay $0x1  }
0x47: {  	v3 =	vperm.xlane v3, v2;
	v4 =	vadd.s32 v1, v4;
	_ =	sdelay $0x1  }
0x48: {  	v3 =	vadd.s32 v1, v3;
	_ =	sdelay $0x2  }
0x49: {  	[tilespmem:s13], [sflag:$0x1] =	stream.indirect_vreg.gather [hbm4b:s1+s3], $0x80, v4, vm0, $0xb8;
	[tilespmem:$0xC100] =	vst v63  }
0x4a: {  	_ = 	snop  }
0x4b: {  	[tilespmem:s14], [sflag:$0x1] =	stream.indirect_vreg.gather [hbm4b:s1+s3], $0x80, v3, vm0, $0xb8;
	[tilespmem:$0xC100] =	vst v63  }
0x4c: {  	v3 =	vld [tilespmem:$0x40];
	_ =	sdelay $0x4  }
0x4d: {  	v32 =	vshll.u32 v3, $0x1  }
0x4e: {  	v3 =	vand.u32 $0x7, v3;
	v4 =	vand.u32 $0xFFFFFFF0, v32  }
0x4f: {  	v3 =	vor.u32 v3, v4  }
0x50: {  	v4 =	vperm.xlane v3, v0;
	_ =	sdelay $0x1  }
0x51: {  	v3 =	vperm.xlane v3, v2;
	v4 =	vadd.s32 v1, v4;
	_ =	sdelay $0x1  }
0x52: {  	v3 =	vadd.s32 v1, v3;
	_ =	sdelay $0x2  }
0x53: {  	[tilespmem:s15], [sflag:$0x1] =	stream.indirect_vreg.gather [hbm4b:s1+s3], $0x80, v4, vm0, $0xb8;
	[tilespmem:$0xC100] =	vst v63  }
0x54: {  	_ = 	snop  }
0x55: {  	[tilespmem:s16], [sflag:$0x1] =	stream.indirect_vreg.gather [hbm4b:s1+s3], $0x80, v3, vm0, $0xb8;
	[tilespmem:$0xC100] =	vst v63  }
0x56: {  	v3 =	vld [tilespmem:$0x50];
	_ =	sdelay $0x4  }
0x57: {  	v33 =	vshll.u32 v3, $0x1  }
0x58: {  	v3 =	vand.u32 $0x7, v3;
	v4 =	vand.u32 $0xFFFFFFF0, v33  }
0x59: {  	v3 =	vor.u32 v3, v4  }
0x5a: {  	v4 =	vperm.xlane v3, v0;
	_ =	sdelay $0x1  }
0x5b: {  	v3 =	vperm.xlane v3, v2;
	v4 =	vadd.s32 v1, v4;
	_ =	sdelay $0x1  }
0x5c: {  	v3 =	vadd.s32 v1, v3;
	_ =	sdelay $0x2  }
0x5d: {  	[tilespmem:s17], [sflag:$0x1] =	stream.indirect_vreg.gather [hbm4b:s1+s3], $0x80, v4, vm0, $0xb8;
	[tilespmem:$0xC100] =	vst v63  }
0x5e: {  	_ = 	snop  }
0x5f: {  	[tilespmem:s18], [sflag:$0x1] =	stream.indirect_vreg.gather [hbm4b:s1+s3], $0x80, v3, vm0, $0xb8;
	[tilespmem:$0xC100] =	vst v63  }
0x60: {  	s7 =	rddreg [dreg:$0x5]  }
0x61: {  	[tilespmem:s20], [sflag:$0x3] =	stream.linear.gather [hbm4b:s7+s3], $0x60, $0x38;
	[tilespmem:$0xC100] =	vst v63  }
0x62: {  	_ =	swait.ge [sflag:s5], $0x60  }
0x63: {  	[sflag:s5] =	ssyncset.done $0x0  }
0x64: {  	[sflag:s5] =	ssyncadd.s32 $0xFFFFFFA0  }
0x65: {  	v3 =	vld [tilespmem:$0x80];
	_ =	sdelay $0x4  }
0x66: {  	v34 =	vshll.u32 v3, $0x1  }
0x67: {  	v3 =	vand.u32 $0x7, v3;
	v4 =	vand.u32 $0xFFFFFFF0, v34  }
0x68: {  	v3 =	vor.u32 v3, v4  }
0x69: {  	v4 =	vperm.xlane v3, v0;
	_ =	sdelay $0x1  }
0x6a: {  	v3 =	vperm.xlane v3, v2;
	v4 =	vadd.s32 v1, v4;
	_ =	sdelay $0x1  }
0x6b: {  	v3 =	vadd.s32 v1, v3;
	_ =	sdelay $0x2  }
0x6c: {  	[tilespmem:s6], [sflag:$0x2] =	stream.indirect_vreg.gather [hbm4b:s1+s3], $0x80, v4, vm0, $0xb8;
	[tilespmem:$0xC100] =	vst v63  }
0x6d: {  	_ = 	snop  }
0x6e: {  	[tilespmem:s21], [sflag:$0x2] =	stream.indirect_vreg.gather [hbm4b:s1+s3], $0x80, v3, vm0, $0xb8;
	[tilespmem:$0xC100] =	vst v63  }
0x6f: {  	v3 =	vld [tilespmem:$0x90];
	_ =	sdelay $0x4  }
0x70: {  	v35 =	vshll.u32 v3, $0x1  }
0x71: {  	v3 =	vand.u32 $0x7, v3;
	v4 =	vand.u32 $0xFFFFFFF0, v35  }
0x72: {  	v3 =	vor.u32 v3, v4  }
0x73: {  	v4 =	vperm.xlane v3, v0;
	_ =	sdelay $0x1  }
0x74: {  	v3 =	vperm.xlane v3, v2;
	v4 =	vadd.s32 v1, v4;
	_ =	sdelay $0x1  }
0x75: {  	v3 =	vadd.s32 v1, v3;
	_ =	sdelay $0x2  }
0x76: {  	[tilespmem:s22], [sflag:$0x2] =	stream.indirect_vreg.gather [hbm4b:s1+s3], $0x80, v4, vm0, $0xb8;
	[tilespmem:$0xC100] =	vst v63  }
0x77: {  	_ = 	snop  }
0x78: {  	[tilespmem:s23], [sflag:$0x2] =	stream.indirect_vreg.gather [hbm4b:s1+s3], $0x80, v3, vm0, $0xb8;
	[tilespmem:$0xC100] =	vst v63  }
0x79: {  	v3 =	vld [tilespmem:$0xA0];
	_ =	sdelay $0x4  }
0x7a: {  	v36 =	vshll.u32 v3, $0x1  }
0x7b: {  	v3 =	vand.u32 $0x7, v3;
	v4 =	vand.u32 $0xFFFFFFF0, v36  }
0x7c: {  	v3 =	vor.u32 v3, v4  }
0x7d: {  	v4 =	vperm.xlane v3, v0;
	_ =	sdelay $0x1  }
0x7e: {  	v3 =	vperm.xlane v3, v2;
	v4 =	vadd.s32 v1, v4;
	_ =	sdelay $0x1  }
0x7f: {  	v3 =	vadd.s32 v1, v3;
	_ =	sdelay $0x2  }
0x80: {  	[tilespmem:s24], [sflag:$0x2] =	stream.indirect_vreg.gather [hbm4b:s1+s3], $0x80, v4, vm0, $0xb8;
	[tilespmem:$0xC100] =	vst v63  }
0x81: {  	_ = 	snop  }
0x82: {  	[tilespmem:s25], [sflag:$0x2] =	stream.indirect_vreg.gather [hbm4b:s1+s3], $0x80, v3, vm0, $0xb8;
	[tilespmem:$0xC100] =	vst v63  }
0x83: {  	v3 =	vld [tilespmem:$0xB0];
	_ =	sdelay $0x4  }
0x84: {  	v37 =	vshll.u32 v3, $0x1  }
0x85: {  	v3 =	vand.u32 $0x7, v3;
	v4 =	vand.u32 $0xFFFFFFF0, v37  }
0x86: {  	v3 =	vor.u32 v3, v4  }
0x87: {  	v4 =	vperm.xlane v3, v0;
	_ =	sdelay $0x1  }
0x88: {  	v3 =	vperm.xlane v3, v2;
	v4 =	vadd.s32 v1, v4;
	_ =	sdelay $0x1  }
0x89: {  	v3 =	vadd.s32 v1, v3;
	_ =	sdelay $0x2  }
0x8a: {  	[tilespmem:s26], [sflag:$0x2] =	stream.indirect_vreg.gather [hbm4b:s1+s3], $0x80, v4, vm0, $0xb8;
	[tilespmem:$0xC100] =	vst v63  }
0x8b: {  	_ = 	snop  }
0x8c: {  	[tilespmem:s28], [sflag:$0x2] =	stream.indirect_vreg.gather [hbm4b:s1+s3], $0x80, v3, vm0, $0xb8;
	[tilespmem:$0xC100] =	vst v63  }
0x8d: {  	v3 =	vld [tilespmem:$0xC0];
	_ =	sdelay $0x4  }
0x8e: {  	v38 =	vshll.u32 v3, $0x1  }
0x8f: {  	v3 =	vand.u32 $0x7, v3;
	v4 =	vand.u32 $0xFFFFFFF0, v38  }
0x90: {  	v3 =	vor.u32 v3, v4  }
0x91: {  	v4 =	vperm.xlane v3, v0;
	_ =	sdelay $0x1  }
0x92: {  	v3 =	vperm.xlane v3, v2;
	v4 =	vadd.s32 v1, v4;
	_ =	sdelay $0x1  }
0x93: {  	v3 =	vadd.s32 v1, v3;
	_ =	sdelay $0x2  }
0x94: {  	[tilespmem:s29], [sflag:$0x2] =	stream.indirect_vreg.gather [hbm4b:s1+s3], $0x80, v4, vm0, $0xb8;
	[tilespmem:$0xC100] =	vst v63  }
0x95: {  	_ = 	snop  }
0x96: {  	[tilespmem:s30], [sflag:$0x2] =	stream.indirect_vreg.gather [hbm4b:s1+s3], $0x80, v3, vm0, $0xb8;
	[tilespmem:$0xC100] =	vst v63  }
0x97: {  	v3 =	vld [tilespmem:$0xD0];
	_ =	sdelay $0x4  }
0x98: {  	v39 =	vshll.u32 v3, $0x1  }
0x99: {  	v3 =	vand.u32 $0x7, v3;
	v4 =	vand.u32 $0xFFFFFFF0, v39  }
0x9a: {  	v3 =	vor.u32 v3, v4  }
0x9b: {  	v4 =	vperm.xlane v3, v0;
	_ =	sdelay $0x1  }
0x9c: {  	v3 =	vperm.xlane v3, v2;
	v4 =	vadd.s32 v1, v4;
	_ =	sdelay $0x1  }
0x9d: {  	v3 =	vadd.s32 v1, v3;
	_ =	sdelay $0x2  }
0x9e: {  	[tilespmem:s31], [sflag:$0x2] =	stream.indirect_vreg.gather [hbm4b:s1+s3], $0x80, v4, vm0, $0xb8;
	[tilespmem:$0xC100] =	vst v63  }
0x9f: {  	s7 =	simm.s32 $0xB900  }
0xa0: {  	[tilespmem:s7], [sflag:$0x2] =	stream.indirect_vreg.gather [hbm4b:s1+s3], $0x80, v3, vm0, $0xb8;
	[tilespmem:$0xC100] =	vst v63  }
0xa1: {  	_ =	swait.ge [sflag:s2], $0x6000  }
0xa2: {  	[sflag:s2] =	ssyncset.done $0x0  }
0xa3: {  	s7 =	rddreg [dreg:$0x6];
	[sflag:s2] =	ssyncadd.s32 $0xFFFFA000  }
0xa4: {  	[hbm4b:s7+s3] =	stream.linear.scatter [tilespmem:s19], [sflag:$0x3], $0x6000, $0x38;
	[tilespmem:$0xC100] =	vst v63  }
0xa5: {  	_ =	swait.ge [sflag:s5], $0x6000  }
0xa6: {  	[sflag:s5] =	ssyncset.done $0x0  }
0xa7: {  	s7 =	rddreg [dreg:$0x7];
	[sflag:s5] =	ssyncadd.s32 $0xFFFFA000  }
0xa8: {  	[tilespmem:s3], [sflag:$0x3] =	stream.linear.gather [hbm4b:s7+s3], $0x60, $0x38;
	[tilespmem:$0xC100] =	vst v63  }
0xa9: {  	_ =	swait.ge [sflag:s5], $0x60  }
0xaa: {  	[sflag:s5] =	ssyncset.done $0x0  }
0xab: {  	[sflag:s5] =	ssyncadd.s32 $0xFFFFFFA0  }
0xac: {  	v3 =	vld [tilespmem:$0x0];
	_ =	sdelay $0x4  }
0xad: {  	v40 =	vshll.u32 v3, $0x1  }
0xae: {  	v3 =	vand.u32 $0x7, v3;
	v4 =	vand.u32 $0xFFFFFFF0, v40  }
0xaf: {  	v3 =	vor.u32 v3, v4  }
0xb0: {  	v4 =	vperm.xlane v3, v0;
	_ =	sdelay $0x1  }
0xb1: {  	v3 =	vperm.xlane v3, v2;
	v4 =	vadd.s32 v1, v4;
	_ =	sdelay $0x1  }
0xb2: {  	v3 =	vadd.s32 v1, v3;
	_ =	sdelay $0x2  }
0xb3: {  	[tilespmem:s19], [sflag:$0x1] =	stream.indirect_vreg.gather [hbm4b:s1+s3], $0x80, v4, vm0, $0xb8;
	[tilespmem:$0xC100] =	vst v63  }
0xb4: {  	_ = 	snop  }
0xb5: {  	[tilespmem:s8], [sflag:$0x1] =	stream.indirect_vreg.gather [hbm4b:s1+s3], $0x80, v3, vm0, $0xb8;
	[tilespmem:$0xC100] =	vst v63  }
0xb6: {  	v3 =	vld [tilespmem:$0x10];
	_ =	sdelay $0x4  }
0xb7: {  	v41 =	vshll.u32 v3, $0x1  }
0xb8: {  	v3 =	vand.u32 $0x7, v3;
	v4 =	vand.u32 $0xFFFFFFF0, v41  }
0xb9: {  	v3 =	vor.u32 v3, v4  }
0xba: {  	v4 =	vperm.xlane v3, v0;
	_ =	sdelay $0x1  }
0xbb: {  	v3 =	vperm.xlane v3, v2;
	v4 =	vadd.s32 v1, v4;
	_ =	sdelay $0x1  }
0xbc: {  	v3 =	vadd.s32 v1, v3;
	_ =	sdelay $0x2  }
0xbd: {  	[tilespmem:s9], [sflag:$0x1] =	stream.indirect_vreg.gather [hbm4b:s1+s3], $0x80, v4, vm0, $0xb8;
	[tilespmem:$0xC100] =	vst v63  }
0xbe: {  	_ = 	snop  }
0xbf: {  	[tilespmem:s10], [sflag:$0x1] =	stream.indirect_vreg.gather [hbm4b:s1+s3], $0x80, v3, vm0, $0xb8;
	[tilespmem:$0xC100] =	vst v63  }
0xc0: {  	v3 =	vld [tilespmem:$0x20];
	_ =	sdelay $0x4  }
0xc1: {  	v42 =	vshll.u32 v3, $0x1  }
0xc2: {  	v3 =	vand.u32 $0x7, v3;
	v4 =	vand.u32 $0xFFFFFFF0, v42  }
0xc3: {  	v3 =	vor.u32 v3, v4  }
0xc4: {  	v4 =	vperm.xlane v3, v0;
	_ =	sdelay $0x1  }
0xc5: {  	v3 =	vperm.xlane v3, v2;
	v4 =	vadd.s32 v1, v4;
	_ =	sdelay $0x1  }
0xc6: {  	v3 =	vadd.s32 v1, v3;
	_ =	sdelay $0x2  }
0xc7: {  	[tilespmem:s11], [sflag:$0x1] =	stream.indirect_vreg.gather [hbm4b:s1+s3], $0x80, v4, vm0, $0xb8;
	[tilespmem:$0xC100] =	vst v63  }
0xc8: {  	_ = 	snop  }
0xc9: {  	[tilespmem:s12], [sflag:$0x1] =	stream.indirect_vreg.gather [hbm4b:s1+s3], $0x80, v3, vm0, $0xb8;
	[tilespmem:$0xC100] =	vst v63  }
0xca: {  	v3 =	vld [tilespmem:$0x30];
	_ =	sdelay $0x4  }
0xcb: {  	v43 =	vshll.u32 v3, $0x1  }
0xcc: {  	v3 =	vand.u32 $0x7, v3;
	v4 =	vand.u32 $0xFFFFFFF0, v43  }
0xcd: {  	v3 =	vor.u32 v3, v4  }
0xce: {  	v4 =	vperm.xlane v3, v0;
	_ =	sdelay $0x1  }
0xcf: {  	v3 =	vperm.xlane v3, v2;
	v4 =	vadd.s32 v1, v4;
	_ =	sdelay $0x1  }
0xd0: {  	v3 =	vadd.s32 v1, v3;
	_ =	sdelay $0x2  }
0xd1: {  	[tilespmem:s13], [sflag:$0x1] =	stream.indirect_vreg.gather [hbm4b:s1+s3], $0x80, v4, vm0, $0xb8;
	[tilespmem:$0xC100] =	vst v63  }
0xd2: {  	_ = 	snop  }
0xd3: {  	[tilespmem:s14], [sflag:$0x1] =	stream.indirect_vreg.gather [hbm4b:s1+s3], $0x80, v3, vm0, $0xb8;
	[tilespmem:$0xC100] =	vst v63  }
0xd4: {  	v3 =	vld [tilespmem:$0x40];
	_ =	sdelay $0x4  }
0xd5: {  	v44 =	vshll.u32 v3, $0x1  }
0xd6: {  	v3 =	vand.u32 $0x7, v3;
	v4 =	vand.u32 $0xFFFFFFF0, v44  }
0xd7: {  	v3 =	vor.u32 v3, v4  }
0xd8: {  	v4 =	vperm.xlane v3, v0;
	_ =	sdelay $0x1  }
0xd9: {  	v3 =	vperm.xlane v3, v2;
	v4 =	vadd.s32 v1, v4;
	_ =	sdelay $0x1  }
0xda: {  	v3 =	vadd.s32 v1, v3;
	_ =	sdelay $0x2  }
0xdb: {  	[tilespmem:s15], [sflag:$0x1] =	stream.indirect_vreg.gather [hbm4b:s1+s3], $0x80, v4, vm0, $0xb8;
	[tilespmem:$0xC100] =	vst v63  }
0xdc: {  	_ = 	snop  }
0xdd: {  	[tilespmem:s16], [sflag:$0x1] =	stream.indirect_vreg.gather [hbm4b:s1+s3], $0x80, v3, vm0, $0xb8;
	[tilespmem:$0xC100] =	vst v63  }
0xde: {  	v3 =	vld [tilespmem:$0x50];
	_ =	sdelay $0x4  }
0xdf: {  	v45 =	vshll.u32 v3, $0x1  }
0xe0: {  	v3 =	vand.u32 $0x7, v3;
	v4 =	vand.u32 $0xFFFFFFF0, v45  }
0xe1: {  	v3 =	vor.u32 v3, v4  }
0xe2: {  	v4 =	vperm.xlane v3, v0;
	_ =	sdelay $0x1  }
0xe3: {  	v3 =	vperm.xlane v3, v2;
	v4 =	vadd.s32 v1, v4;
	_ =	sdelay $0x1  }
0xe4: {  	v3 =	vadd.s32 v1, v3;
	_ =	sdelay $0x2  }
0xe5: {  	[tilespmem:s17], [sflag:$0x1] =	stream.indirect_vreg.gather [hbm4b:s1+s3], $0x80, v4, vm0, $0xb8;
	[tilespmem:$0xC100] =	vst v63  }
0xe6: {  	_ = 	snop  }
0xe7: {  	[tilespmem:s18], [sflag:$0x1] =	stream.indirect_vreg.gather [hbm4b:s1+s3], $0x80, v3, vm0, $0xb8;
	[tilespmem:$0xC100] =	vst v63  }
0xe8: {  	_ =	swait.ge [sflag:s0], $0x6000  }
0xe9: {  	[sflag:s0] =	ssyncset.done $0x0  }
0xea: {  	s7 =	rddreg [dreg:$0x8];
	[sflag:s0] =	ssyncadd.s32 $0xFFFFA000  }
0xeb: {  	[hbm4b:s7+s3] =	stream.linear.scatter [tilespmem:s6], [sflag:$0x3], $0x6000, $0x38;
	[tilespmem:$0xC100] =	vst v63  }
0xec: {  	_ =	swait.ge [sflag:s5], $0x6000  }
0xed: {  	[sflag:s5] =	ssyncset.done $0x0  }
0xee: {  	s7 =	rddreg [dreg:$0x9];
	[sflag:s5] =	ssyncadd.s32 $0xFFFFA000  }
0xef: {  	[tilespmem:s20], [sflag:$0x3] =	stream.linear.gather [hbm4b:s7+s3], $0x60, $0x38;
	[tilespmem:$0xC100] =	vst v63  }
0xf0: {  	_ =	swait.ge [sflag:s5], $0x60  }
0xf1: {  	[sflag:s5] =	ssyncset.done $0x0  }
0xf2: {  	[sflag:s5] =	ssyncadd.s32 $0xFFFFFFA0  }
0xf3: {  	v3 =	vld [tilespmem:$0x80];
	_ =	sdelay $0x4  }
0xf4: {  	v46 =	vshll.u32 v3, $0x1  }
0xf5: {  	v3 =	vand.u32 $0x7, v3;
	v4 =	vand.u32 $0xFFFFFFF0, v46  }
0xf6: {  	v3 =	vor.u32 v3, v4  }
0xf7: {  	v4 =	vperm.xlane v3, v0;
	_ =	sdelay $0x1  }
0xf8: {  	v3 =	vperm.xlane v3, v2;
	v4 =	vadd.s32 v1, v4;
	_ =	sdelay $0x1  }
0xf9: {  	v3 =	vadd.s32 v1, v3;
	_ =	sdelay $0x2  }
0xfa: {  	[tilespmem:s6], [sflag:$0x2] =	stream.indirect_vreg.gather [hbm4b:s1+s3], $0x80, v4, vm0, $0xb8;
	[tilespmem:$0xC100] =	vst v63  }
0xfb: {  	_ = 	snop  }
0xfc: {  	[tilespmem:s21], [sflag:$0x2] =	stream.indirect_vreg.gather [hbm4b:s1+s3], $0x80, v3, vm0, $0xb8;
	[tilespmem:$0xC100] =	vst v63  }
0xfd: {  	v3 =	vld [tilespmem:$0x90];
	_ =	sdelay $0x4  }
0xfe: {  	v47 =	vshll.u32 v3, $0x1  }
0xff: {  	v3 =	vand.u32 $0x7, v3;
	v4 =	vand.u32 $0xFFFFFFF0, v47  }
0x100: {  	v3 =	vor.u32 v3, v4  }
0x101: {  	v4 =	vperm.xlane v3, v0;
	_ =	sdelay $0x1  }
0x102: {  	v3 =	vperm.xlane v3, v2;
	v4 =	vadd.s32 v1, v4;
	_ =	sdelay $0x1  }
0x103: {  	v3 =	vadd.s32 v1, v3;
	_ =	sdelay $0x2  }
0x104: {  	[tilespmem:s22], [sflag:$0x2] =	stream.indirect_vreg.gather [hbm4b:s1+s3], $0x80, v4, vm0, $0xb8;
	[tilespmem:$0xC100] =	vst v63  }
0x105: {  	_ = 	snop  }
0x106: {  	[tilespmem:s23], [sflag:$0x2] =	stream.indirect_vreg.gather [hbm4b:s1+s3], $0x80, v3, vm0, $0xb8;
	[tilespmem:$0xC100] =	vst v63  }
0x107: {  	v3 =	vld [tilespmem:$0xA0];
	_ =	sdelay $0x4  }
0x108: {  	v48 =	vshll.u32 v3, $0x1  }
0x109: {  	v3 =	vand.u32 $0x7, v3;
	v4 =	vand.u32 $0xFFFFFFF0, v48  }
0x10a: {  	v3 =	vor.u32 v3, v4  }
0x10b: {  	v4 =	vperm.xlane v3, v0;
	_ =	sdelay $0x1  }
0x10c: {  	v3 =	vperm.xlane v3, v2;
	v4 =	vadd.s32 v1, v4;
	_ =	sdelay $0x1  }
0x10d: {  	v3 =	vadd.s32 v1, v3;
	_ =	sdelay $0x2  }
0x10e: {  	[tilespmem:s24], [sflag:$0x2] =	stream.indirect_vreg.gather [hbm4b:s1+s3], $0x80, v4, vm0, $0xb8;
	[tilespmem:$0xC100] =	vst v63  }
0x10f: {  	_ = 	snop  }
0x110: {  	[tilespmem:s25], [sflag:$0x2] =	stream.indirect_vreg.gather [hbm4b:s1+s3], $0x80, v3, vm0, $0xb8;
	[tilespmem:$0xC100] =	vst v63  }
0x111: {  	v3 =	vld [tilespmem:$0xB0];
	_ =	sdelay $0x4  }
0x112: {  	v49 =	vshll.u32 v3, $0x1  }
0x113: {  	v3 =	vand.u32 $0x7, v3;
	v4 =	vand.u32 $0xFFFFFFF0, v49  }
0x114: {  	v3 =	vor.u32 v3, v4  }
0x115: {  	v4 =	vperm.xlane v3, v0;
	_ =	sdelay $0x1  }
0x116: {  	v3 =	vperm.xlane v3, v2;
	v4 =	vadd.s32 v1, v4;
	_ =	sdelay $0x1  }
0x117: {  	v3 =	vadd.s32 v1, v3;
	_ =	sdelay $0x2  }
0x118: {  	[tilespmem:s26], [sflag:$0x2] =	stream.indirect_vreg.gather [hbm4b:s1+s3], $0x80, v4, vm0, $0xb8;
	[tilespmem:$0xC100] =	vst v63  }
0x119: {  	_ = 	snop  }
0x11a: {  	[tilespmem:s28], [sflag:$0x2] =	stream.indirect_vreg.gather [hbm4b:s1+s3], $0x80, v3, vm0, $0xb8;
	[tilespmem:$0xC100] =	vst v63  }
0x11b: {  	v3 =	vld [tilespmem:$0xC0];
	_ =	sdelay $0x4  }
0x11c: {  	v50 =	vshll.u32 v3, $0x1  }
0x11d: {  	v3 =	vand.u32 $0x7, v3;
	v4 =	vand.u32 $0xFFFFFFF0, v50  }
0x11e: {  	v3 =	vor.u32 v3, v4  }
0x11f: {  	v4 =	vperm.xlane v3, v0;
	_ =	sdelay $0x1  }
0x120: {  	v3 =	vperm.xlane v3, v2;
	v4 =	vadd.s32 v1, v4;
	_ =	sdelay $0x1  }
0x121: {  	v3 =	vadd.s32 v1, v3;
	_ =	sdelay $0x2  }
0x122: {  	[tilespmem:s29], [sflag:$0x2] =	stream.indirect_vreg.gather [hbm4b:s1+s3], $0x80, v4, vm0, $0xb8;
	[tilespmem:$0xC100] =	vst v63  }
0x123: {  	_ = 	snop  }
0x124: {  	[tilespmem:s30], [sflag:$0x2] =	stream.indirect_vreg.gather [hbm4b:s1+s3], $0x80, v3, vm0, $0xb8;
	[tilespmem:$0xC100] =	vst v63  }
0x125: {  	v3 =	vld [tilespmem:$0xD0];
	_ =	sdelay $0x4  }
0x126: {  	v51 =	vshll.u32 v3, $0x1  }
0x127: {  	v3 =	vand.u32 $0x7, v3;
	v4 =	vand.u32 $0xFFFFFFF0, v51  }
0x128: {  	v3 =	vor.u32 v3, v4  }
0x129: {  	v4 =	vperm.xlane v3, v0;
	_ =	sdelay $0x1  }
0x12a: {  	v3 =	vperm.xlane v3, v2;
	v4 =	vadd.s32 v1, v4;
	_ =	sdelay $0x1  }
0x12b: {  	v3 =	vadd.s32 v1, v3;
	_ =	sdelay $0x2  }
0x12c: {  	[tilespmem:s31], [sflag:$0x2] =	stream.indirect_vreg.gather [hbm4b:s1+s3], $0x80, v4, vm0, $0xb8;
	[tilespmem:$0xC100] =	vst v63  }
0x12d: {  	s7 =	simm.s32 $0xB900  }
0x12e: {  	[tilespmem:s7], [sflag:$0x2] =	stream.indirect_vreg.gather [hbm4b:s1+s3], $0x80, v3, vm0, $0xb8;
	[tilespmem:$0xC100] =	vst v63  }
0x12f: {  	_ =	swait.ge [sflag:s2], $0x6000  }
0x130: {  	[sflag:s2] =	ssyncset.done $0x0  }
0x131: {  	s7 =	rddreg [dreg:$0xa];
	[sflag:s2] =	ssyncadd.s32 $0xFFFFA000  }
0x132: {  	[hbm4b:s7+s3] =	stream.linear.scatter [tilespmem:s19], [sflag:$0x3], $0x6000, $0x38;
	[tilespmem:$0xC100] =	vst v63  }
0x133: {  	_ =	swait.ge [sflag:s5], $0x6000  }
0x134: {  	[sflag:s5] =	ssyncset.done $0x0  }
0x135: {  	s7 =	rddreg [dreg:$0xb];
	[sflag:s5] =	ssyncadd.s32 $0xFFFFA000  }
0x136: {  	[tilespmem:s3], [sflag:$0x3] =	stream.linear.gather [hbm4b:s7+s3], $0x60, $0x38;
	[tilespmem:$0xC100] =	vst v63  }
0x137: {  	_ =	swait.ge [sflag:s5], $0x60  }
0x138: {  	[sflag:s5] =	ssyncset.done $0x0  }
0x139: {  	[sflag:s5] =	ssyncadd.s32 $0xFFFFFFA0  }
0x13a: {  	v3 =	vld [tilespmem:$0x0];
	_ =	sdelay $0x4  }
0x13b: {  	v52 =	vshll.u32 v3, $0x1  }
0x13c: {  	v3 =	vand.u32 $0x7, v3;
	v4 =	vand.u32 $0xFFFFFFF0, v52  }
0x13d: {  	v3 =	vor.u32 v3, v4  }
0x13e: {  	v4 =	vperm.xlane v3, v0;
	_ =	sdelay $0x1  }
0x13f: {  	v3 =	vperm.xlane v3, v2;
	v4 =	vadd.s32 v1, v4;
	_ =	sdelay $0x1  }
0x140: {  	v3 =	vadd.s32 v1, v3;
	_ =	sdelay $0x2  }
0x141: {  	[tilespmem:s19], [sflag:$0x1] =	stream.indirect_vreg.gather [hbm4b:s1+s3], $0x80, v4, vm0, $0xb8;
	[tilespmem:$0xC100] =	vst v63  }
0x142: {  	_ = 	snop  }
0x143: {  	[tilespmem:s8], [sflag:$0x1] =	stream.indirect_vreg.gather [hbm4b:s1+s3], $0x80, v3, vm0, $0xb8;
	[tilespmem:$0xC100] =	vst v63  }
0x144: {  	v3 =	vld [tilespmem:$0x10];
	_ =	sdelay $0x4  }
0x145: {  	v53 =	vshll.u32 v3, $0x1  }
0x146: {  	v3 =	vand.u32 $0x7, v3;
	v4 =	vand.u32 $0xFFFFFFF0, v53  }
0x147: {  	v3 =	vor.u32 v3, v4  }
0x148: {  	v4 =	vperm.xlane v3, v0;
	_ =	sdelay $0x1  }
0x149: {  	v3 =	vperm.xlane v3, v2;
	v4 =	vadd.s32 v1, v4;
	_ =	sdelay $0x1  }
0x14a: {  	v3 =	vadd.s32 v1, v3;
	_ =	sdelay $0x2  }
0x14b: {  	[tilespmem:s9], [sflag:$0x1] =	stream.indirect_vreg.gather [hbm4b:s1+s3], $0x80, v4, vm0, $0xb8;
	[tilespmem:$0xC100] =	vst v63  }
0x14c: {  	_ = 	snop  }
0x14d: {  	[tilespmem:s10], [sflag:$0x1] =	stream.indirect_vreg.gather [hbm4b:s1+s3], $0x80, v3, vm0, $0xb8;
	[tilespmem:$0xC100] =	vst v63  }
0x14e: {  	v3 =	vld [tilespmem:$0x20];
	_ =	sdelay $0x4  }
0x14f: {  	v54 =	vshll.u32 v3, $0x1  }
0x150: {  	v3 =	vand.u32 $0x7, v3;
	v4 =	vand.u32 $0xFFFFFFF0, v54  }
0x151: {  	v3 =	vor.u32 v3, v4  }
0x152: {  	v4 =	vperm.xlane v3, v0;
	_ =	sdelay $0x1  }
0x153: {  	v3 =	vperm.xlane v3, v2;
	v4 =	vadd.s32 v1, v4;
	_ =	sdelay $0x1  }
0x154: {  	v3 =	vadd.s32 v1, v3;
	_ =	sdelay $0x2  }
0x155: {  	[tilespmem:s11], [sflag:$0x1] =	stream.indirect_vreg.gather [hbm4b:s1+s3], $0x80, v4, vm0, $0xb8;
	[tilespmem:$0xC100] =	vst v63  }
0x156: {  	_ = 	snop  }
0x157: {  	[tilespmem:s12], [sflag:$0x1] =	stream.indirect_vreg.gather [hbm4b:s1+s3], $0x80, v3, vm0, $0xb8;
	[tilespmem:$0xC100] =	vst v63  }
0x158: {  	v3 =	vld [tilespmem:$0x30];
	_ =	sdelay $0x4  }
0x159: {  	v55 =	vshll.u32 v3, $0x1  }
0x15a: {  	v3 =	vand.u32 $0x7, v3;
	v4 =	vand.u32 $0xFFFFFFF0, v55  }
0x15b: {  	v3 =	vor.u32 v3, v4  }
0x15c: {  	v4 =	vperm.xlane v3, v0;
	_ =	sdelay $0x1  }
0x15d: {  	v3 =	vperm.xlane v3, v2;
	v4 =	vadd.s32 v1, v4;
	_ =	sdelay $0x1  }
0x15e: {  	v3 =	vadd.s32 v1, v3;
	_ =	sdelay $0x2  }
0x15f: {  	[tilespmem:s13], [sflag:$0x1] =	stream.indirect_vreg.gather [hbm4b:s1+s3], $0x80, v4, vm0, $0xb8;
	[tilespmem:$0xC100] =	vst v63  }
0x160: {  	_ = 	snop  }
0x161: {  	[tilespmem:s14], [sflag:$0x1] =	stream.indirect_vreg.gather [hbm4b:s1+s3], $0x80, v3, vm0, $0xb8;
	[tilespmem:$0xC100] =	vst v63  }
0x162: {  	v3 =	vld [tilespmem:$0x40];
	_ =	sdelay $0x4  }
0x163: {  	v56 =	vshll.u32 v3, $0x1  }
0x164: {  	v3 =	vand.u32 $0x7, v3;
	v4 =	vand.u32 $0xFFFFFFF0, v56  }
0x165: {  	v3 =	vor.u32 v3, v4  }
0x166: {  	v4 =	vperm.xlane v3, v0;
	_ =	sdelay $0x1  }
0x167: {  	v3 =	vperm.xlane v3, v2;
	v4 =	vadd.s32 v1, v4;
	_ =	sdelay $0x1  }
0x168: {  	v3 =	vadd.s32 v1, v3;
	_ =	sdelay $0x2  }
0x169: {  	[tilespmem:s15], [sflag:$0x1] =	stream.indirect_vreg.gather [hbm4b:s1+s3], $0x80, v4, vm0, $0xb8;
	[tilespmem:$0xC100] =	vst v63  }
0x16a: {  	_ = 	snop  }
0x16b: {  	[tilespmem:s16], [sflag:$0x1] =	stream.indirect_vreg.gather [hbm4b:s1+s3], $0x80, v3, vm0, $0xb8;
	[tilespmem:$0xC100] =	vst v63  }
0x16c: {  	v3 =	vld [tilespmem:$0x50];
	_ =	sdelay $0x4  }
0x16d: {  	v57 =	vshll.u32 v3, $0x1  }
0x16e: {  	v3 =	vand.u32 $0x7, v3;
	v4 =	vand.u32 $0xFFFFFFF0, v57  }
0x16f: {  	v3 =	vor.u32 v3, v4  }
0x170: {  	v4 =	vperm.xlane v3, v0;
	_ =	sdelay $0x1  }
0x171: {  	v3 =	vperm.xlane v3, v2;
	v4 =	vadd.s32 v1, v4;
	_ =	sdelay $0x1  }
0x172: {  	v3 =	vadd.s32 v1, v3;
	_ =	sdelay $0x2  }
0x173: {  	[tilespmem:s17], [sflag:$0x1] =	stream.indirect_vreg.gather [hbm4b:s1+s3], $0x80, v4, vm0, $0xb8;
	[tilespmem:$0xC100] =	vst v63  }
0x174: {  	_ = 	snop  }
0x175: {  	[tilespmem:s18], [sflag:$0x1] =	stream.indirect_vreg.gather [hbm4b:s1+s3], $0x80, v3, vm0, $0xb8;
	[tilespmem:$0xC100] =	vst v63  }
0x176: {  	_ =	swait.ge [sflag:s0], $0x6000  }
0x177: {  	[sflag:s0] =	ssyncset.done $0x0  }
0x178: {  	s7 =	rddreg [dreg:$0xc];
	[sflag:s0] =	ssyncadd.s32 $0xFFFFA000  }
0x179: {  	[hbm4b:s7+s3] =	stream.linear.scatter [tilespmem:s6], [sflag:$0x3], $0x6000, $0x38;
	[tilespmem:$0xC100] =	vst v63  }
0x17a: {  	_ =	swait.ge [sflag:s5], $0x6000  }
0x17b: {  	[sflag:s5] =	ssyncset.done $0x0  }
0x17c: {  	s7 =	rddreg [dreg:$0xd];
	[sflag:s5] =	ssyncadd.s32 $0xFFFFA000  }
0x17d: {  	[tilespmem:s20], [sflag:$0x3] =	stream.linear.gather [hbm4b:s7+s3], $0x60, $0x38;
	[tilespmem:$0xC100] =	vst v63  }
0x17e: {  	_ =	swait.ge [sflag:s5], $0x60  }
0x17f: {  	[sflag:s5] =	ssyncset.done $0x0  }
0x180: {  	[sflag:s5] =	ssyncadd.s32 $0xFFFFFFA0  }
0x181: {  	v3 =	vld [tilespmem:$0x80];
	_ =	sdelay $0x4  }
0x182: {  	v58 =	vshll.u32 v3, $0x1  }
0x183: {  	v3 =	vand.u32 $0x7, v3;
	v4 =	vand.u32 $0xFFFFFFF0, v58  }
0x184: {  	v3 =	vor.u32 v3, v4  }
0x185: {  	v4 =	vperm.xlane v3, v0;
	_ =	sdelay $0x1  }
0x186: {  	v3 =	vperm.xlane v3, v2;
	v4 =	vadd.s32 v1, v4;
	_ =	sdelay $0x1  }
0x187: {  	v3 =	vadd.s32 v1, v3;
	_ =	sdelay $0x2  }
0x188: {  	[tilespmem:s6], [sflag:$0x2] =	stream.indirect_vreg.gather [hbm4b:s1+s3], $0x80, v4, vm0, $0xb8;
	[tilespmem:$0xC100] =	vst v63  }
0x189: {  	_ = 	snop  }
0x18a: {  	[tilespmem:s21], [sflag:$0x2] =	stream.indirect_vreg.gather [hbm4b:s1+s3], $0x80, v3, vm0, $0xb8;
	[tilespmem:$0xC100] =	vst v63  }
0x18b: {  	v3 =	vld [tilespmem:$0x90];
	_ =	sdelay $0x4  }
0x18c: {  	v59 =	vshll.u32 v3, $0x1  }
0x18d: {  	v3 =	vand.u32 $0x7, v3;
	v4 =	vand.u32 $0xFFFFFFF0, v59  }
0x18e: {  	v3 =	vor.u32 v3, v4  }
0x18f: {  	v4 =	vperm.xlane v3, v0;
	_ =	sdelay $0x1  }
0x190: {  	v3 =	vperm.xlane v3, v2;
	v4 =	vadd.s32 v1, v4;
	_ =	sdelay $0x1  }
0x191: {  	v3 =	vadd.s32 v1, v3;
	_ =	sdelay $0x2  }
0x192: {  	[tilespmem:s22], [sflag:$0x2] =	stream.indirect_vreg.gather [hbm4b:s1+s3], $0x80, v4, vm0, $0xb8;
	[tilespmem:$0xC100] =	vst v63  }
0x193: {  	_ = 	snop  }
0x194: {  	[tilespmem:s23], [sflag:$0x2] =	stream.indirect_vreg.gather [hbm4b:s1+s3], $0x80, v3, vm0, $0xb8;
	[tilespmem:$0xC100] =	vst v63  }
0x195: {  	v3 =	vld [tilespmem:$0xA0];
	_ =	sdelay $0x4  }
0x196: {  	v60 =	vshll.u32 v3, $0x1  }
0x197: {  	v3 =	vand.u32 $0x7, v3;
	v4 =	vand.u32 $0xFFFFFFF0, v60  }
0x198: {  	v3 =	vor.u32 v3, v4  }
0x199: {  	v4 =	vperm.xlane v3, v0;
	_ =	sdelay $0x1  }
0x19a: {  	v3 =	vperm.xlane v3, v2;
	v4 =	vadd.s32 v1, v4;
	_ =	sdelay $0x1  }
0x19b: {  	v3 =	vadd.s32 v1, v3;
	_ =	sdelay $0x2  }
0x19c: {  	[tilespmem:s24], [sflag:$0x2] =	stream.indirect_vreg.gather [hbm4b:s1+s3], $0x80, v4, vm0, $0xb8;
	[tilespmem:$0xC100] =	vst v63  }
0x19d: {  	_ = 	snop  }
0x19e: {  	[tilespmem:s25], [sflag:$0x2] =	stream.indirect_vreg.gather [hbm4b:s1+s3], $0x80, v3, vm0, $0xb8;
	[tilespmem:$0xC100] =	vst v63  }
0x19f: {  	v3 =	vld [tilespmem:$0xB0];
	_ =	sdelay $0x4  }
0x1a0: {  	v61 =	vshll.u32 v3, $0x1  }
0x1a1: {  	v3 =	vand.u32 $0x7, v3;
	v4 =	vand.u32 $0xFFFFFFF0, v61  }
0x1a2: {  	v3 =	vor.u32 v3, v4  }
0x1a3: {  	v4 =	vperm.xlane v3, v0;
	_ =	sdelay $0x1  }
0x1a4: {  	v3 =	vperm.xlane v3, v2;
	v4 =	vadd.s32 v1, v4;
	_ =	sdelay $0x1  }
0x1a5: {  	v3 =	vadd.s32 v1, v3;
	_ =	sdelay $0x2  }
0x1a6: {  	[tilespmem:s26], [sflag:$0x2] =	stream.indirect_vreg.gather [hbm4b:s1+s3], $0x80, v4, vm0, $0xb8;
	[tilespmem:$0xC100] =	vst v63  }
0x1a7: {  	_ = 	snop  }
0x1a8: {  	[tilespmem:s28], [sflag:$0x2] =	stream.indirect_vreg.gather [hbm4b:s1+s3], $0x80, v3, vm0, $0xb8;
	[tilespmem:$0xC100] =	vst v63  }
0x1a9: {  	v3 =	vld [tilespmem:$0xC0];
	_ =	sdelay $0x4  }
0x1aa: {  	v62 =	vshll.u32 v3, $0x1  }
0x1ab: {  	v3 =	vand.u32 $0x7, v3;
	v4 =	vand.u32 $0xFFFFFFF0, v62  }
0x1ac: {  	v3 =	vor.u32 v3, v4  }
0x1ad: {  	v4 =	vperm.xlane v3, v0;
	_ =	sdelay $0x1  }
0x1ae: {  	v3 =	vperm.xlane v3, v2;
	v4 =	vadd.s32 v1, v4;
	_ =	sdelay $0x1  }
0x1af: {  	v3 =	vadd.s32 v1, v3;
	_ =	sdelay $0x2  }
0x1b0: {  	[tilespmem:s29], [sflag:$0x2] =	stream.indirect_vreg.gather [hbm4b:s1+s3], $0x80, v4, vm0, $0xb8;
	[tilespmem:$0xC100] =	vst v63  }
0x1b1: {  	_ = 	snop  }
0x1b2: {  	[tilespmem:s30], [sflag:$0x2] =	stream.indirect_vreg.gather [hbm4b:s1+s3], $0x80, v3, vm0, $0xb8;
	[tilespmem:$0xC100] =	vst v63  }
0x1b3: {  	v3 =	vld [tilespmem:$0xD0];
	_ =	sdelay $0x4  }
0x1b4: {  	v63 =	vshll.u32 v3, $0x1  }
0x1b5: {  	v3 =	vand.u32 $0x7, v3;
	v4 =	vand.u32 $0xFFFFFFF0, v63  }
0x1b6: {  	v3 =	vor.u32 v3, v4  }
0x1b7: {  	v4 =	vperm.xlane v3, v0;
	_ =	sdelay $0x1  }
0x1b8: {  	v3 =	vperm.xlane v3, v2;
	v4 =	vadd.s32 v1, v4;
	_ =	sdelay $0x1  }
0x1b9: {  	v3 =	vadd.s32 v1, v3;
	_ =	sdelay $0x2  }
0x1ba: {  	[tilespmem:s31], [sflag:$0x2] =	stream.indirect_vreg.gather [hbm4b:s1+s3], $0x80, v4, vm0, $0xb8;
	[tilespmem:$0xC100] =	vst v63  }
0x1bb: {  	s7 =	simm.s32 $0xB900  }
0x1bc: {  	[tilespmem:s7], [sflag:$0x2] =	stream.indirect_vreg.gather [hbm4b:s1+s3], $0x80, v3, vm0, $0xb8;
	[tilespmem:$0xC100] =	vst v63  }
0x1bd: {  	_ =	swait.ge [sflag:s2], $0x6000  }
0x1be: {  	[sflag:s2] =	ssyncset.done $0x0  }
0x1bf: {  	s7 =	rddreg [dreg:$0xe];
	[sflag:s2] =	ssyncadd.s32 $0xFFFFA000  }
0x1c0: {  	[hbm4b:s7+s3] =	stream.linear.scatter [tilespmem:s19], [sflag:$0x3], $0x6000, $0x38;
	[tilespmem:$0xC100] =	vst v63  }
0x1c1: {  	_ =	swait.ge [sflag:s5], $0x6000  }
0x1c2: {  	[sflag:s5] =	ssyncset.done $0x0  }
0x1c3: {  	[sflag:s5] =	ssyncadd.s32 $0xFFFFA000  }
0x1c4: {  	_ =	swait.ge [sflag:s0], $0x6000  }
0x1c5: {  	p0 =	sne.s32 s4, $0x1;
	[sflag:s0] =	ssyncset.done $0x0  }
.Ltmp0:
0x1c6: {  	s7 =	rddreg [dreg:$0xf];
	[sflag:s0] =	ssyncadd.s32 $0xFFFFA000;
	(pc) =	sbr.rel @p0 .LBB2_1-.Ltmp0, $4  }
0x1c7: {  	[hbm4b:s7+s3] =	stream.linear.scatter [tilespmem:s6], [sflag:$0x3], $0x6000, $0x38;
	[tilespmem:$0xC100] =	vst v63  }
0x1c8: {  	_ =	swait.ge [sflag:s5], $0x6000  }
0x1c9: {  	[sflag:s5] =	ssyncset.done $0x0  }
0x1ca: {  	s4 =	sadd.s32 $0xFFFFFFFF, s4;
	[sflag:s5] =	ssyncadd.s32 $0xFFFFA000  }
0x1cb: {  	_ =	sfence.sel $0x180000  }
0x1cc: {  	[bflag:$0x0] =	sbarrier.arrive $0xFFFF  }
0x1cd: {  	_ =	strace $0x90000047  }
0x1ce: {  	s0 =	stileid.u32;
	[bflag:$0x2] =	sbarrier.arrive $0xFFFF  }
0x1cf: {  	p0 =	sne.s32 s0, $0x0;
	s0 =	rddreg [dreg:$0x3]  }
0x1d0: {  	s0 =	sadd.s32 @!p0 $0x100000, s0  }
0x1d1: {  	[sflag:s0] =	ssyncadd.tile.s32 @!p0 $0x1;
	_ =	shalt  }
.Lfunc_end2:
_tile_overlayer_lowered:
.L_overlay_start_2:
0x1d2: {  	(tag) =	ssettag $0x2  }
0x1d3: {  	s0 =	rddreg [dreg:$0x0];
	s2 =	stileid.u32  }
0x1d4: {  	s1 =	rddreg [dreg:$0x1];
	p0 =	sne.s32 s2, $0x0  }
0x1d5: {  	s3 =	rddreg [dreg:$0x2];
	[bflag:$0x3] =	sbarrier.arrive $0xFFFF;
	s2 =	simm.s32 @!p0 $0x1C03  }
0x1d6: {  	[timem:s3], [sflag:s2] =	dma.local @!p0 [hbm:s0], s1  }
0x1d7: {  	s0 =	simm.s32 @!p0 $0x3  }
0x1d8: {  	_ =	swait.ge @!p0 [sflag:s0], s1  }
0x1d9: {  	s1 =	ssub.s32 @!p0 $0x0, s1;
	[sflag:s0] =	ssyncset.done @!p0 $0x0  }
0x1da: {  	[sflag:s0] =	ssyncadd.s32 @!p0 s1  }
0x1db: {  	[bflag:$0x3] =	sbarrier.arrive $0xFFFF  }
0x1dc: {  	_ =	shalt  }

</sc_bundles>
